<compile_context>
chip_gen: v7x
topology: tpu7x:2x2x1
jax: 0.10.2.dev20260603
libtpu: 0.0.44.dev20260713+nightly
codegen_flags: <defaults>
</compile_context>

<pallas_src>
import jax
import jax.numpy as jnp
from jax import lax
from jax.experimental import pallas as pl
from jax.experimental.pallas import tpu as pltpu
from jax.experimental.pallas import tpu_sc as plsc

N_NODES = 10000
D_FEAT = 128
N_EDGES = 320000
NUM_LAYERS = 3

NC = 2
NS = 16
NW = NC * NS
E_PER_W = N_EDGES // NW
K = 80
NCHUNK = E_PER_W // K
NSEC = 5
SECCH = NCHUNK // NSEC
N_PAD = 10240
ROWS_PER_TILE = N_PAD // NS
DEG_W = 128

_mesh = plsc.VectorSubcoreMesh(core_axis_name="c", subcore_axis_name="s")


def _sc_deg_body(dst_hbm, zeros_hbm, ones_hbm, degp_hbm,
                 dst_idx, ones_v, acc, sem):
    c = lax.axis_index("c")
    s = lax.axis_index("s")
    w = s * NC + c
    pltpu.sync_copy(ones_hbm, ones_v)
    pltpu.sync_copy(zeros_hbm, acc.at[pl.ds(s * ROWS_PER_TILE, ROWS_PER_TILE)])
    plsc.subcore_barrier()

    for sec in range(NSEC):
        pltpu.async_copy(dst_hbm.at[w, sec], dst_idx, sem).wait()

        def chunk(j, carry):
            pltpu.sync_copy(ones_v, acc.at[dst_idx.at[j]], add=True)
            return carry

        lax.fori_loop(0, SECCH, chunk, 0)

    plsc.subcore_barrier()
    pltpu.sync_copy(acc.at[pl.ds(s * ROWS_PER_TILE, ROWS_PER_TILE)],
                    degp_hbm.at[c, pl.ds(s * ROWS_PER_TILE, ROWS_PER_TILE)])


_sc_deg = pl.kernel(
    _sc_deg_body,
    out_type=jax.ShapeDtypeStruct((NC, N_PAD, DEG_W), jnp.float32),
    mesh=_mesh,
    scratch_types=[
        pltpu.VMEM((SECCH, K), jnp.int32),
        pltpu.VMEM((K, DEG_W), jnp.float32),
        pltpu.VMEM_SHARED((N_PAD, DEG_W), jnp.float32),
        pltpu.SemaphoreType.DMA,
    ],
)


def _sc_layer_body(g_hbm, src_hbm, dst_hbm, zeros_hbm, part_hbm,
                   src_idx, dst_idx, rows_a, rows_b, acc,
                   sem_a, sem_b, sem_i):
    c = lax.axis_index("c")
    s = lax.axis_index("s")
    w = s * NC + c
    pltpu.sync_copy(zeros_hbm, acc.at[pl.ds(s * ROWS_PER_TILE, ROWS_PER_TILE)])
    plsc.subcore_barrier()

    for sec in range(NSEC):
        pltpu.async_copy(src_hbm.at[w, sec], src_idx, sem_i)
        pltpu.async_copy(dst_hbm.at[w, sec], dst_idx, sem_i)
        pltpu.make_async_copy(src_hbm.at[w, sec], src_idx, sem_i).wait()
        pltpu.make_async_copy(dst_hbm.at[w, sec], dst_idx, sem_i).wait()

        pltpu.async_copy(g_hbm.at[src_idx.at[0]], rows_a, sem_a)

        def chunk(jj, carry):
            for b in range(2):
                rows, sem = (rows_a, sem_a) if b == 0 else (rows_b, sem_b)
                nrows, nsem = (rows_b, sem_b) if b == 0 else (rows_a, sem_a)
                j = jj * 2 + b
                pltpu.async_copy(g_hbm.at[src_idx.at[j + 1]], nrows, nsem)
                pltpu.make_async_copy(g_hbm.at[src_idx.at[j]], rows, sem).wait()
                pltpu.sync_copy(rows, acc.at[dst_idx.at[j]], add=True)
            return carry

        lax.fori_loop(0, (SECCH - 1) // 2, chunk, 0)
        jt = SECCH - 1
        pltpu.make_async_copy(g_hbm.at[src_idx.at[jt]], rows_a, sem_a).wait()
        pltpu.sync_copy(rows_a, acc.at[dst_idx.at[jt]], add=True)

    plsc.subcore_barrier()
    pltpu.sync_copy(acc.at[pl.ds(s * ROWS_PER_TILE, ROWS_PER_TILE)],
                    part_hbm.at[c, pl.ds(s * ROWS_PER_TILE, ROWS_PER_TILE)])


_sc_layer = pl.kernel(
    _sc_layer_body,
    out_type=jax.ShapeDtypeStruct((NC, N_PAD, D_FEAT), jnp.float32),
    mesh=_mesh,
    scratch_types=[
        pltpu.VMEM((SECCH, K), jnp.int32),
        pltpu.VMEM((SECCH, K), jnp.int32),
        pltpu.VMEM((K, D_FEAT), jnp.float32),
        pltpu.VMEM((K, D_FEAT), jnp.float32),
        pltpu.VMEM_SHARED((N_PAD, D_FEAT), jnp.float32),
        pltpu.SemaphoreType.DMA,
        pltpu.SemaphoreType.DMA,
        pltpu.SemaphoreType.DMA,
    ],
)



_RB = 5000


def _tc_prep_body(degp_ref, x_ref, dis_ref, g_ref, acc_ref):
    deg = degp_ref[0, :, 0:1] + degp_ref[1, :, 0:1]
    dis = jnp.where(deg > 0, lax.rsqrt(deg), 0.0)
    dis_b = jnp.broadcast_to(dis, (_RB, D_FEAT))
    dis_ref[...] = dis_b
    g_ref[...] = dis_b * x_ref[...]
    acc_ref[...] = x_ref[...] * (1.0 / (NUM_LAYERS + 1))


_tc_prep = pl.pallas_call(
    _tc_prep_body,
    grid=(N_NODES // _RB,),
    in_specs=[
        pl.BlockSpec((NC, _RB, DEG_W), lambda i: (0, i, 0)),
        pl.BlockSpec((_RB, D_FEAT), lambda i: (i, 0)),
    ],
    out_specs=[
        pl.BlockSpec((_RB, D_FEAT), lambda i: (i, 0)),
        pl.BlockSpec((_RB, D_FEAT), lambda i: (i, 0)),
        pl.BlockSpec((_RB, D_FEAT), lambda i: (i, 0)),
    ],
    out_shape=[
        jax.ShapeDtypeStruct((N_NODES, D_FEAT), jnp.float32),
        jax.ShapeDtypeStruct((N_NODES, D_FEAT), jnp.float32),
        jax.ShapeDtypeStruct((N_NODES, D_FEAT), jnp.float32),
    ],
)


def _tc_combine_body(p_ref, dis_ref, acc_ref, accout_ref, g_ref):
    h = dis_ref[...] * (p_ref[0] + p_ref[1])
    accout_ref[...] = acc_ref[...] + h * (1.0 / (NUM_LAYERS + 1))
    g_ref[...] = dis_ref[...] * h


_tc_combine = pl.pallas_call(
    _tc_combine_body,
    grid=(N_NODES // _RB,),
    in_specs=[
        pl.BlockSpec((NC, _RB, D_FEAT), lambda i: (0, i, 0)),
        pl.BlockSpec((_RB, D_FEAT), lambda i: (i, 0)),
        pl.BlockSpec((_RB, D_FEAT), lambda i: (i, 0)),
    ],
    out_specs=[
        pl.BlockSpec((_RB, D_FEAT), lambda i: (i, 0)),
        pl.BlockSpec((_RB, D_FEAT), lambda i: (i, 0)),
    ],
    out_shape=[
        jax.ShapeDtypeStruct((N_NODES, D_FEAT), jnp.float32),
        jax.ShapeDtypeStruct((N_NODES, D_FEAT), jnp.float32),
    ],
)


def kernel(x, edge_index):
    ei = edge_index.astype(jnp.int32)
    src_r = ei[0].reshape(NW, NSEC, SECCH, K)
    dst_r = ei[1].reshape(NW, NSEC, SECCH, K)
    zeros_deg = jnp.zeros((ROWS_PER_TILE, DEG_W), jnp.float32)
    ones_deg = jnp.ones((K, DEG_W), jnp.float32)
    zeros_feat = jnp.zeros((ROWS_PER_TILE, D_FEAT), jnp.float32)

    degp = _sc_deg(dst_r, zeros_deg, ones_deg)
    dis2d, g, acc0 = _tc_prep(degp, x)

    def step(carry, _):
        acc, g = carry
        part = _sc_layer(g, src_r, dst_r, zeros_feat)
        acc, g = _tc_combine(part, dis2d, acc)
        return (acc, g), None

    (acc, _), _ = lax.scan(step, (acc0, g), None, length=NUM_LAYERS)
    return acc

# --- scband reference (transcript-rebuilt; emitter-appended) ---
"""Pipeline reference for scband-light-gcnencoder-11836929868661 (READ-ONLY COPY).

The authoritative reference and input builder live on the scoring server;
editing this copy changes nothing except your own understanding.
"""

import jax, jax.numpy as jnp
import numpy as np

NUM_LAYERS = 3
N_NODES = 10000
N_EDGES = 320000
D_FEAT = 128


def setup_inputs(seed: int = 0) -> dict:
    key = jax.random.key(seed)
    k1, k2 = jax.random.split(key)
    x = jax.random.normal(k1, (N_NODES, D_FEAT), dtype=jnp.float32)
    edge_index = jax.random.randint(k2, (2, N_EDGES), 0, N_NODES, dtype=jnp.int64)
    return {"x": x, "edge_index": edge_index}


def _lgconv(x, edge_index):
    # PyG LGConv: gcn_norm with add_self_loops=False, then scatter-add propagate
    src = edge_index[0]
    dst = edge_index[1]
    n = x.shape[0]
    ones = jnp.ones(src.shape[0], dtype=x.dtype)
    deg = jnp.zeros((n,), dtype=x.dtype).at[dst].add(ones)
    deg_inv_sqrt = jnp.where(deg > 0, deg ** -0.5, 0.0)
    norm = deg_inv_sqrt[src] * deg_inv_sqrt[dst]
    msg = x[src] * norm[:, None]
    out = jnp.zeros_like(x).at[dst].add(msg)
    return out


def reference(x, edge_index):
    all_embeddings = [x]
    h = x
    for _ in range(NUM_LAYERS):
        h = _lgconv(h, edge_index)
        all_embeddings.append(h)
    out = jnp.stack(all_embeddings, axis=0).mean(axis=0)
    # hidden_dim == out_dim -> out_proj is Identity
    return out

if __name__ == "__main__":
    import jax
    _d = setup_inputs()
    print(jax.jit(kernel)(*tuple(_d.values())))

</pallas_src>

<mosaic_0001>
#map = affine_map<(d0, d1) -> (0, 0)>
#map1 = affine_map<(d0, d1) -> (0, 0, 0, 0)>
#map2 = affine_map<(d0, d1) -> (0, 0, 0)>
module attributes {stable_mosaic.version = 14 : i64} {
  func.func @_sc_layer_body(%arg0: i32, %arg1: i32, %arg2: memref<10000x128xf32, #tpu.memory_space<hbm>>, %arg3: memref<32x5x25x80xi32, #tpu.memory_space<hbm>>, %arg4: memref<32x5x25x80xi32, #tpu.memory_space<hbm>>, %arg5: memref<640x128xf32, #tpu.memory_space<hbm>>, %arg6: memref<2x10240x128xf32, #tpu.memory_space<hbm>>, %arg7: memref<25x80xi32, #tpu.memory_space<vmem>>, %arg8: memref<25x80xi32, #tpu.memory_space<vmem>>, %arg9: memref<80x128xf32, #tpu.memory_space<vmem>>, %arg10: memref<80x128xf32, #tpu.memory_space<vmem>>, %arg11: memref<10240x128xf32, #tpu.memory_space<vmem_shared>>, %arg12: memref<!tpu.dma_semaphore, #tpu.memory_space<semaphore_mem>>, %arg13: memref<!tpu.dma_semaphore, #tpu.memory_space<semaphore_mem>>, %arg14: memref<!tpu.dma_semaphore, #tpu.memory_space<semaphore_mem>>) attributes {dimension_semantics = [#tpu.dimension_semantics<core_parallel>, #tpu.dimension_semantics<subcore_parallel>], iteration_bounds = array<i64: 2, 16>, scalar_prefetch = 0 : i64, scratch_operands = 8 : i64, tpu.core_type = #tpu.core_type<sc_vector_subcore>, window_params = [{transform_indices = #map}, {transform_indices = #map1}, {transform_indices = #map1}, {transform_indices = #map}, {transform_indices = #map2}]} {
    %mul3A = arith.constant 2 : i32
    %mul3A_0 = arith.muli %arg1, %mul3A : i32
    %add3A = arith.addi %mul3A_0, %arg0 : i32
    %mul3A_1 = arith.constant 640 : i32
    %mul3A_2 = arith.muli %arg1, %mul3A_1 : i32
    "tpu.region"() ({
      %run_scoped3A_289 = tpu.sem_alloc : memref<!tpu.dma_semaphore, #tpu.memory_space<semaphore_mem>>
      %dma_start3A_290 = arith.constant 0 : i32
      %dma_start3A_291 = tpu.memref_slice %arg11[%mul3A_2, %dma_start3A_290] : memref<10240x128xf32, #tpu.memory_space<vmem_shared>> -> memref<640x128xf32, #tpu.memory_space<vmem_shared>>
      tpu.enqueue_dma source(%arg5 : memref<640x128xf32, #tpu.memory_space<hbm>>) target(%dma_start3A_291 : memref<640x128xf32, #tpu.memory_space<vmem_shared>>) target_semaphore(%run_scoped3A_289 : memref<!tpu.dma_semaphore, #tpu.memory_space<semaphore_mem>>)
      %dma_wait3A_292 = arith.constant 0 : i32
      %dma_wait3A_293 = tpu.memref_slice %arg11[%mul3A_2, %dma_wait3A_292] : memref<10240x128xf32, #tpu.memory_space<vmem_shared>> -> memref<640x128xf32, #tpu.memory_space<vmem_shared>>
      tpu.wait_dma2 semaphore(%run_scoped3A_289 : memref<!tpu.dma_semaphore, #tpu.memory_space<semaphore_mem>>) src(%arg5 : memref<640x128xf32, #tpu.memory_space<hbm>>) dst(%dma_wait3A_293 : memref<640x128xf32, #tpu.memory_space<vmem_shared>>)
      tpu.yield
    }) : () -> ()
    %barrier3A = arith.constant 0 : index
    tpu.barrier barrier_id(%barrier3A)
    %dma_start3A = arith.constant 0 : i32
    %dma_start3A_3 = arith.constant 0 : i32
    %dma_start3A_4 = arith.constant 0 : i32
    %dma_start3A_5 = tpu.memref_slice %arg3[%add3A, %dma_start3A, %dma_start3A_3, %dma_start3A_4] : memref<32x5x25x80xi32, #tpu.memory_space<hbm>> -> memref<1x1x25x80xi32, #tpu.memory_space<hbm>>
    %dma_start3A_6 = tpu.memref_squeeze %dma_start3A_5 : memref<1x1x25x80xi32, #tpu.memory_space<hbm>> -> memref<25x80xi32, #tpu.memory_space<hbm>>
    %dma_start3A_7 = arith.constant 0 : i32
    %dma_start3A_8 = arith.constant 0 : i32
    %dma_start3A_9 = tpu.memref_slice %arg3[%add3A, %dma_start3A, %dma_start3A_7, %dma_start3A_8] : memref<32x5x25x80xi32, #tpu.memory_space<hbm>> -> memref<1x1x25x80xi32, #tpu.memory_space<hbm>>
    %dma_start3A_10 = tpu.memref_squeeze %dma_start3A_9 : memref<1x1x25x80xi32, #tpu.memory_space<hbm>> -> memref<25x80xi32, #tpu.memory_space<hbm>>
    tpu.enqueue_dma source(%dma_start3A_10 : memref<25x80xi32, #tpu.memory_space<hbm>>) target(%arg7 : memref<25x80xi32, #tpu.memory_space<vmem>>) target_semaphore(%arg14 : memref<!tpu.dma_semaphore, #tpu.memory_space<semaphore_mem>>)
    %dma_start3A_11 = arith.constant 0 : i32
    %dma_start3A_12 = arith.constant 0 : i32
    %dma_start3A_13 = arith.constant 0 : i32
    %dma_start3A_14 = tpu.memref_slice %arg4[%add3A, %dma_start3A_11, %dma_start3A_12, %dma_start3A_13] : memref<32x5x25x80xi32, #tpu.memory_space<hbm>> -> memref<1x1x25x80xi32, #tpu.memory_space<hbm>>
    %dma_start3A_15 = tpu.memref_squeeze %dma_start3A_14 : memref<1x1x25x80xi32, #tpu.memory_space<hbm>> -> memref<25x80xi32, #tpu.memory_space<hbm>>
    %dma_start3A_16 = arith.constant 0 : i32
    %dma_start3A_17 = arith.constant 0 : i32
    %dma_start3A_18 = tpu.memref_slice %arg4[%add3A, %dma_start3A_11, %dma_start3A_16, %dma_start3A_17] : memref<32x5x25x80xi32, #tpu.memory_space<hbm>> -> memref<1x1x25x80xi32, #tpu.memory_space<hbm>>
    %dma_start3A_19 = tpu.memref_squeeze %dma_start3A_18 : memref<1x1x25x80xi32, #tpu.memory_space<hbm>> -> memref<25x80xi32, #tpu.memory_space<hbm>>
    tpu.enqueue_dma source(%dma_start3A_19 : memref<25x80xi32, #tpu.memory_space<hbm>>) target(%arg8 : memref<25x80xi32, #tpu.memory_space<vmem>>) target_semaphore(%arg14 : memref<!tpu.dma_semaphore, #tpu.memory_space<semaphore_mem>>)
    %dma_wait3A = arith.constant 0 : i32
    %dma_wait3A_20 = arith.constant 0 : i32
    %dma_wait3A_21 = arith.constant 0 : i32
    %dma_wait3A_22 = tpu.memref_slice %arg3[%add3A, %dma_wait3A, %dma_wait3A_20, %dma_wait3A_21] : memref<32x5x25x80xi32, #tpu.memory_space<hbm>> -> memref<1x1x25x80xi32, #tpu.memory_space<hbm>>
    %dma_wait3A_23 = tpu.memref_squeeze %dma_wait3A_22 : memref<1x1x25x80xi32, #tpu.memory_space<hbm>> -> memref<25x80xi32, #tpu.memory_space<hbm>>
    %dma_wait3A_24 = arith.constant 0 : i32
    %dma_wait3A_25 = arith.constant 0 : i32
    %dma_wait3A_26 = tpu.memref_slice %arg3[%add3A, %dma_wait3A, %dma_wait3A_24, %dma_wait3A_25] : memref<32x5x25x80xi32, #tpu.memory_space<hbm>> -> memref<1x1x25x80xi32, #tpu.memory_space<hbm>>
    %dma_wait3A_27 = tpu.memref_squeeze %dma_wait3A_26 : memref<1x1x25x80xi32, #tpu.memory_space<hbm>> -> memref<25x80xi32, #tpu.memory_space<hbm>>
    tpu.wait_dma2 semaphore(%arg14 : memref<!tpu.dma_semaphore, #tpu.memory_space<semaphore_mem>>) src(%dma_wait3A_27 : memref<25x80xi32, #tpu.memory_space<hbm>>) dst(%arg7 : memref<25x80xi32, #tpu.memory_space<vmem>>)
    %dma_wait3A_28 = arith.constant 0 : i32
    %dma_wait3A_29 = arith.constant 0 : i32
    %dma_wait3A_30 = arith.constant 0 : i32
    %dma_wait3A_31 = tpu.memref_slice %arg4[%add3A, %dma_wait3A_28, %dma_wait3A_29, %dma_wait3A_30] : memref<32x5x25x80xi32, #tpu.memory_space<hbm>> -> memref<1x1x25x80xi32, #tpu.memory_space<hbm>>
    %dma_wait3A_32 = tpu.memref_squeeze %dma_wait3A_31 : memref<1x1x25x80xi32, #tpu.memory_space<hbm>> -> memref<25x80xi32, #tpu.memory_space<hbm>>
    %dma_wait3A_33 = arith.constant 0 : i32
    %dma_wait3A_34 = arith.constant 0 : i32
    %dma_wait3A_35 = tpu.memref_slice %arg4[%add3A, %dma_wait3A_28, %dma_wait3A_33, %dma_wait3A_34] : memref<32x5x25x80xi32, #tpu.memory_space<hbm>> -> memref<1x1x25x80xi32, #tpu.memory_space<hbm>>
    %dma_wait3A_36 = tpu.memref_squeeze %dma_wait3A_35 : memref<1x1x25x80xi32, #tpu.memory_space<hbm>> -> memref<25x80xi32, #tpu.memory_space<hbm>>
    tpu.wait_dma2 semaphore(%arg14 : memref<!tpu.dma_semaphore, #tpu.memory_space<semaphore_mem>>) src(%dma_wait3A_36 : memref<25x80xi32, #tpu.memory_space<hbm>>) dst(%arg8 : memref<25x80xi32, #tpu.memory_space<vmem>>)
    %dma_start3A_37 = arith.constant 0 : i32
    %dma_start3A_38 = arith.constant 0 : i32
    %dma_start3A_39 = tpu.memref_slice %arg7[%dma_start3A_37, %dma_start3A_38] : memref<25x80xi32, #tpu.memory_space<vmem>> -> memref<1x80xi32, #tpu.memory_space<vmem>>
    %dma_start3A_40 = tpu.memref_squeeze %dma_start3A_39 : memref<1x80xi32, #tpu.memory_space<vmem>> -> memref<80xi32, #tpu.memory_space<vmem>>
    %dma_start3A_41 = arith.constant 0 : i32
    %dma_start3A_42 = arith.constant 0 : i32
    %dma_start3A_43 = tpu.memref_slice %arg2[%dma_start3A_41, %dma_start3A_42] : memref<10000x128xf32, #tpu.memory_space<hbm>> -> memref<10000x128xf32, #tpu.memory_space<hbm>>
    tpu.enqueue_indirect_dma source(%dma_start3A_43 : memref<10000x128xf32, #tpu.memory_space<hbm>>) target(%arg9 : memref<80x128xf32, #tpu.memory_space<vmem>>) offsets(%dma_start3A_40 : memref<80xi32, #tpu.memory_space<vmem>>) semaphore(%arg12 : memref<!tpu.dma_semaphore, #tpu.memory_space<semaphore_mem>>)
    %scan3A = arith.constant 0 : i32
    %scan3A_44 = arith.constant 0 : i32
    %scan3A_45 = arith.constant 12 : i32
    %scan3A_46 = arith.addi %scan3A_44, %scan3A_45 : i32
    %scan3A_47 = arith.constant 1 : i32
    scf.for %scan3A_289 = %scan3A_44 to %scan3A_46 step %scan3A_47  : i32 {
      %mul3A_290 = arith.constant 2 : i32
      %mul3A_291 = arith.muli %scan3A_289, %mul3A_290 : i32
      %add3A_292 = arith.constant 0 : i32
      %add3A_293 = arith.addi %mul3A_291, %add3A_292 : i32
      %add3A_294 = arith.constant 1 : i32
      %add3A_295 = arith.addi %add3A_293, %add3A_294 : i32
      %dma_start3A_296 = arith.constant 0 : i32
      %dma_start3A_297 = tpu.memref_slice %arg7[%add3A_295, %dma_start3A_296] : memref<25x80xi32, #tpu.memory_space<vmem>> -> memref<1x80xi32, #tpu.memory_space<vmem>>
      %dma_start3A_298 = tpu.memref_squeeze %dma_start3A_297 : memref<1x80xi32, #tpu.memory_space<vmem>> -> memref<80xi32, #tpu.memory_space<vmem>>
      %dma_start3A_299 = arith.constant 0 : i32
      %dma_start3A_300 = arith.constant 0 : i32
      %dma_start3A_301 = tpu.memref_slice %arg2[%dma_start3A_299, %dma_start3A_300] : memref<10000x128xf32, #tpu.memory_space<hbm>> -> memref<10000x128xf32, #tpu.memory_space<hbm>>
      tpu.enqueue_indirect_dma source(%dma_start3A_301 : memref<10000x128xf32, #tpu.memory_space<hbm>>) target(%arg10 : memref<80x128xf32, #tpu.memory_space<vmem>>) offsets(%dma_start3A_298 : memref<80xi32, #tpu.memory_space<vmem>>) semaphore(%arg13 : memref<!tpu.dma_semaphore, #tpu.memory_space<semaphore_mem>>)
      %dma_wait3A_302 = arith.constant 0 : i32
      %dma_wait3A_303 = tpu.memref_slice %arg7[%add3A_293, %dma_wait3A_302] : memref<25x80xi32, #tpu.memory_space<vmem>> -> memref<1x80xi32, #tpu.memory_space<vmem>>
      %dma_wait3A_304 = tpu.memref_squeeze %dma_wait3A_303 : memref<1x80xi32, #tpu.memory_space<vmem>> -> memref<80xi32, #tpu.memory_space<vmem>>
      %dma_wait3A_305 = arith.constant 0 : i32
      %dma_wait3A_306 = arith.constant 0 : i32
      %dma_wait3A_307 = tpu.memref_slice %arg2[%dma_wait3A_305, %dma_wait3A_306] : memref<10000x128xf32, #tpu.memory_space<hbm>> -> memref<10000x128xf32, #tpu.memory_space<hbm>>
      tpu.wait_indirect_dma semaphore(%arg12 : memref<!tpu.dma_semaphore, #tpu.memory_space<semaphore_mem>>) src(%dma_wait3A_307 : memref<10000x128xf32, #tpu.memory_space<hbm>>) dst(%arg9 : memref<80x128xf32, #tpu.memory_space<vmem>>)
      "tpu.region"() ({
        %run_scoped3A_326 = tpu.sem_alloc : memref<!tpu.dma_semaphore, #tpu.memory_space<semaphore_mem>>
        %dma_start3A_327 = arith.constant 0 : i32
        %dma_start3A_328 = tpu.memref_slice %arg8[%add3A_293, %dma_start3A_327] : memref<25x80xi32, #tpu.memory_space<vmem>> -> memref<1x80xi32, #tpu.memory_space<vmem>>
        %dma_start3A_329 = tpu.memref_squeeze %dma_start3A_328 : memref<1x80xi32, #tpu.memory_space<vmem>> -> memref<80xi32, #tpu.memory_space<vmem>>
        %dma_start3A_330 = arith.constant 0 : i32
        %dma_start3A_331 = arith.constant 0 : i32
        %dma_start3A_332 = tpu.memref_slice %arg11[%dma_start3A_330, %dma_start3A_331] : memref<10240x128xf32, #tpu.memory_space<vmem_shared>> -> memref<10240x128xf32, #tpu.memory_space<vmem_shared>>
        tpu.enqueue_indirect_dma source(%arg9 : memref<80x128xf32, #tpu.memory_space<vmem>>) target(%dma_start3A_332 : memref<10240x128xf32, #tpu.memory_space<vmem_shared>>) offsets(%dma_start3A_329 : memref<80xi32, #tpu.memory_space<vmem>>) semaphore(%run_scoped3A_326 : memref<!tpu.dma_semaphore, #tpu.memory_space<semaphore_mem>>) {add = true}
        %dma_wait3A_333 = arith.constant 0 : i32
        %dma_wait3A_334 = tpu.memref_slice %arg8[%add3A_293, %dma_wait3A_333] : memref<25x80xi32, #tpu.memory_space<vmem>> -> memref<1x80xi32, #tpu.memory_space<vmem>>
        %dma_wait3A_335 = tpu.memref_squeeze %dma_wait3A_334 : memref<1x80xi32, #tpu.memory_space<vmem>> -> memref<80xi32, #tpu.memory_space<vmem>>
        %dma_wait3A_336 = arith.constant 0 : i32
        %dma_wait3A_337 = arith.constant 0 : i32
        %dma_wait3A_338 = tpu.memref_slice %arg11[%dma_wait3A_336, %dma_wait3A_337] : memref<10240x128xf32, #tpu.memory_space<vmem_shared>> -> memref<10240x128xf32, #tpu.memory_space<vmem_shared>>
        tpu.wait_indirect_dma semaphore(%run_scoped3A_326 : memref<!tpu.dma_semaphore, #tpu.memory_space<semaphore_mem>>) src(%arg9 : memref<80x128xf32, #tpu.memory_space<vmem>>) dst(%dma_wait3A_338 : memref<10240x128xf32, #tpu.memory_space<vmem_shared>>)
        tpu.yield
      }) : () -> ()
      %mul3A_308 = arith.constant 2 : i32
      %mul3A_309 = arith.muli %scan3A_289, %mul3A_308 : i32
      %add3A_310 = arith.constant 1 : i32
      %add3A_311 = arith.addi %mul3A_309, %add3A_310 : i32
      %add3A_312 = arith.constant 1 : i32
      %add3A_313 = arith.addi %add3A_311, %add3A_312 : i32
      %dma_start3A_314 = arith.constant 0 : i32
      %dma_start3A_315 = tpu.memref_slice %arg7[%add3A_313, %dma_start3A_314] : memref<25x80xi32, #tpu.memory_space<vmem>> -> memref<1x80xi32, #tpu.memory_space<vmem>>
      %dma_start3A_316 = tpu.memref_squeeze %dma_start3A_315 : memref<1x80xi32, #tpu.memory_space<vmem>> -> memref<80xi32, #tpu.memory_space<vmem>>
      %dma_start3A_317 = arith.constant 0 : i32
      %dma_start3A_318 = arith.constant 0 : i32
      %dma_start3A_319 = tpu.memref_slice %arg2[%dma_start3A_317, %dma_start3A_318] : memref<10000x128xf32, #tpu.memory_space<hbm>> -> memref<10000x128xf32, #tpu.memory_space<hbm>>
      tpu.enqueue_indirect_dma source(%dma_start3A_319 : memref<10000x128xf32, #tpu.memory_space<hbm>>) target(%arg9 : memref<80x128xf32, #tpu.memory_space<vmem>>) offsets(%dma_start3A_316 : memref<80xi32, #tpu.memory_space<vmem>>) semaphore(%arg12 : memref<!tpu.dma_semaphore, #tpu.memory_space<semaphore_mem>>)
      %dma_wait3A_320 = arith.constant 0 : i32
      %dma_wait3A_321 = tpu.memref_slice %arg7[%add3A_311, %dma_wait3A_320] : memref<25x80xi32, #tpu.memory_space<vmem>> -> memref<1x80xi32, #tpu.memory_space<vmem>>
      %dma_wait3A_322 = tpu.memref_squeeze %dma_wait3A_321 : memref<1x80xi32, #tpu.memory_space<vmem>> -> memref<80xi32, #tpu.memory_space<vmem>>
      %dma_wait3A_323 = arith.constant 0 : i32
      %dma_wait3A_324 = arith.constant 0 : i32
      %dma_wait3A_325 = tpu.memref_slice %arg2[%dma_wait3A_323, %dma_wait3A_324] : memref<10000x128xf32, #tpu.memory_space<hbm>> -> memref<10000x128xf32, #tpu.memory_space<hbm>>
      tpu.wait_indirect_dma semaphore(%arg13 : memref<!tpu.dma_semaphore, #tpu.memory_space<semaphore_mem>>) src(%dma_wait3A_325 : memref<10000x128xf32, #tpu.memory_space<hbm>>) dst(%arg10 : memref<80x128xf32, #tpu.memory_space<vmem>>)
      "tpu.region"() ({
        %run_scoped3A_326 = tpu.sem_alloc : memref<!tpu.dma_semaphore, #tpu.memory_space<semaphore_mem>>
        %dma_start3A_327 = arith.constant 0 : i32
        %dma_start3A_328 = tpu.memref_slice %arg8[%add3A_311, %dma_start3A_327] : memref<25x80xi32, #tpu.memory_space<vmem>> -> memref<1x80xi32, #tpu.memory_space<vmem>>
        %dma_start3A_329 = tpu.memref_squeeze %dma_start3A_328 : memref<1x80xi32, #tpu.memory_space<vmem>> -> memref<80xi32, #tpu.memory_space<vmem>>
        %dma_start3A_330 = arith.constant 0 : i32
        %dma_start3A_331 = arith.constant 0 : i32
        %dma_start3A_332 = tpu.memref_slice %arg11[%dma_start3A_330, %dma_start3A_331] : memref<10240x128xf32, #tpu.memory_space<vmem_shared>> -> memref<10240x128xf32, #tpu.memory_space<vmem_shared>>
        tpu.enqueue_indirect_dma source(%arg10 : memref<80x128xf32, #tpu.memory_space<vmem>>) target(%dma_start3A_332 : memref<10240x128xf32, #tpu.memory_space<vmem_shared>>) offsets(%dma_start3A_329 : memref<80xi32, #tpu.memory_space<vmem>>) semaphore(%run_scoped3A_326 : memref<!tpu.dma_semaphore, #tpu.memory_space<semaphore_mem>>) {add = true}
        %dma_wait3A_333 = arith.constant 0 : i32
        %dma_wait3A_334 = tpu.memref_slice %arg8[%add3A_311, %dma_wait3A_333] : memref<25x80xi32, #tpu.memory_space<vmem>> -> memref<1x80xi32, #tpu.memory_space<vmem>>
        %dma_wait3A_335 = tpu.memref_squeeze %dma_wait3A_334 : memref<1x80xi32, #tpu.memory_space<vmem>> -> memref<80xi32, #tpu.memory_space<vmem>>
        %dma_wait3A_336 = arith.constant 0 : i32
        %dma_wait3A_337 = arith.constant 0 : i32
        %dma_wait3A_338 = tpu.memref_slice %arg11[%dma_wait3A_336, %dma_wait3A_337] : memref<10240x128xf32, #tpu.memory_space<vmem_shared>> -> memref<10240x128xf32, #tpu.memory_space<vmem_shared>>
        tpu.wait_indirect_dma semaphore(%run_scoped3A_326 : memref<!tpu.dma_semaphore, #tpu.memory_space<semaphore_mem>>) src(%arg10 : memref<80x128xf32, #tpu.memory_space<vmem>>) dst(%dma_wait3A_338 : memref<10240x128xf32, #tpu.memory_space<vmem_shared>>)
        tpu.yield
      }) : () -> ()
    }
    %scan3A_48 = arith.constant 12 : i32
    %dma_wait3A_49 = arith.constant 24 : i32
    %dma_wait3A_50 = arith.constant 0 : i32
    %dma_wait3A_51 = tpu.memref_slice %arg7[%dma_wait3A_49, %dma_wait3A_50] : memref<25x80xi32, #tpu.memory_space<vmem>> -> memref<1x80xi32, #tpu.memory_space<vmem>>
    %dma_wait3A_52 = tpu.memref_squeeze %dma_wait3A_51 : memref<1x80xi32, #tpu.memory_space<vmem>> -> memref<80xi32, #tpu.memory_space<vmem>>
    %dma_wait3A_53 = arith.constant 0 : i32
    %dma_wait3A_54 = arith.constant 0 : i32
    %dma_wait3A_55 = tpu.memref_slice %arg2[%dma_wait3A_53, %dma_wait3A_54] : memref<10000x128xf32, #tpu.memory_space<hbm>> -> memref<10000x128xf32, #tpu.memory_space<hbm>>
    tpu.wait_indirect_dma semaphore(%arg12 : memref<!tpu.dma_semaphore, #tpu.memory_space<semaphore_mem>>) src(%dma_wait3A_55 : memref<10000x128xf32, #tpu.memory_space<hbm>>) dst(%arg9 : memref<80x128xf32, #tpu.memory_space<vmem>>)
    %run_scoped3A = arith.constant 24 : i32
    "tpu.region"() ({
      %run_scoped3A_289 = tpu.sem_alloc : memref<!tpu.dma_semaphore, #tpu.memory_space<semaphore_mem>>
      %dma_start3A_290 = arith.constant 0 : i32
      %dma_start3A_291 = tpu.memref_slice %arg8[%run_scoped3A, %dma_start3A_290] : memref<25x80xi32, #tpu.memory_space<vmem>> -> memref<1x80xi32, #tpu.memory_space<vmem>>
      %dma_start3A_292 = tpu.memref_squeeze %dma_start3A_291 : memref<1x80xi32, #tpu.memory_space<vmem>> -> memref<80xi32, #tpu.memory_space<vmem>>
      %dma_start3A_293 = arith.constant 0 : i32
      %dma_start3A_294 = arith.constant 0 : i32
      %dma_start3A_295 = tpu.memref_slice %arg11[%dma_start3A_293, %dma_start3A_294] : memref<10240x128xf32, #tpu.memory_space<vmem_shared>> -> memref<10240x128xf32, #tpu.memory_space<vmem_shared>>
      tpu.enqueue_indirect_dma source(%arg9 : memref<80x128xf32, #tpu.memory_space<vmem>>) target(%dma_start3A_295 : memref<10240x128xf32, #tpu.memory_space<vmem_shared>>) offsets(%dma_start3A_292 : memref<80xi32, #tpu.memory_space<vmem>>) semaphore(%run_scoped3A_289 : memref<!tpu.dma_semaphore, #tpu.memory_space<semaphore_mem>>) {add = true}
      %dma_wait3A_296 = arith.constant 0 : i32
      %dma_wait3A_297 = tpu.memref_slice %arg8[%run_scoped3A, %dma_wait3A_296] : memref<25x80xi32, #tpu.memory_space<vmem>> -> memref<1x80xi32, #tpu.memory_space<vmem>>
      %dma_wait3A_298 = tpu.memref_squeeze %dma_wait3A_297 : memref<1x80xi32, #tpu.memory_space<vmem>> -> memref<80xi32, #tpu.memory_space<vmem>>
      %dma_wait3A_299 = arith.constant 0 : i32
      %dma_wait3A_300 = arith.constant 0 : i32
      %dma_wait3A_301 = tpu.memref_slice %arg11[%dma_wait3A_299, %dma_wait3A_300] : memref<10240x128xf32, #tpu.memory_space<vmem_shared>> -> memref<10240x128xf32, #tpu.memory_space<vmem_shared>>
      tpu.wait_indirect_dma semaphore(%run_scoped3A_289 : memref<!tpu.dma_semaphore, #tpu.memory_space<semaphore_mem>>) src(%arg9 : memref<80x128xf32, #tpu.memory_space<vmem>>) dst(%dma_wait3A_301 : memref<10240x128xf32, #tpu.memory_space<vmem_shared>>)
      tpu.yield
    }) : () -> ()
    %dma_start3A_56 = arith.constant 1 : i32
    %dma_start3A_57 = arith.constant 0 : i32
    %dma_start3A_58 = arith.constant 0 : i32
    %dma_start3A_59 = tpu.memref_slice %arg3[%add3A, %dma_start3A_56, %dma_start3A_57, %dma_start3A_58] : memref<32x5x25x80xi32, #tpu.memory_space<hbm>> -> memref<1x1x25x80xi32, #tpu.memory_space<hbm>>
    %dma_start3A_60 = tpu.memref_squeeze %dma_start3A_59 : memref<1x1x25x80xi32, #tpu.memory_space<hbm>> -> memref<25x80xi32, #tpu.memory_space<hbm>>
    %dma_start3A_61 = arith.constant 0 : i32
    %dma_start3A_62 = arith.constant 0 : i32
    %dma_start3A_63 = tpu.memref_slice %arg3[%add3A, %dma_start3A_56, %dma_start3A_61, %dma_start3A_62] : memref<32x5x25x80xi32, #tpu.memory_space<hbm>> -> memref<1x1x25x80xi32, #tpu.memory_space<hbm>>
    %dma_start3A_64 = tpu.memref_squeeze %dma_start3A_63 : memref<1x1x25x80xi32, #tpu.memory_space<hbm>> -> memref<25x80xi32, #tpu.memory_space<hbm>>
    tpu.enqueue_dma source(%dma_start3A_64 : memref<25x80xi32, #tpu.memory_space<hbm>>) target(%arg7 : memref<25x80xi32, #tpu.memory_space<vmem>>) target_semaphore(%arg14 : memref<!tpu.dma_semaphore, #tpu.memory_space<semaphore_mem>>)
    %dma_start3A_65 = arith.constant 1 : i32
    %dma_start3A_66 = arith.constant 0 : i32
    %dma_start3A_67 = arith.constant 0 : i32
    %dma_start3A_68 = tpu.memref_slice %arg4[%add3A, %dma_start3A_65, %dma_start3A_66, %dma_start3A_67] : memref<32x5x25x80xi32, #tpu.memory_space<hbm>> -> memref<1x1x25x80xi32, #tpu.memory_space<hbm>>
    %dma_start3A_69 = tpu.memref_squeeze %dma_start3A_68 : memref<1x1x25x80xi32, #tpu.memory_space<hbm>> -> memref<25x80xi32, #tpu.memory_space<hbm>>
    %dma_start3A_70 = arith.constant 0 : i32
    %dma_start3A_71 = arith.constant 0 : i32
    %dma_start3A_72 = tpu.memref_slice %arg4[%add3A, %dma_start3A_65, %dma_start3A_70, %dma_start3A_71] : memref<32x5x25x80xi32, #tpu.memory_space<hbm>> -> memref<1x1x25x80xi32, #tpu.memory_space<hbm>>
    %dma_start3A_73 = tpu.memref_squeeze %dma_start3A_72 : memref<1x1x25x80xi32, #tpu.memory_space<hbm>> -> memref<25x80xi32, #tpu.memory_space<hbm>>
    tpu.enqueue_dma source(%dma_start3A_73 : memref<25x80xi32, #tpu.memory_space<hbm>>) target(%arg8 : memref<25x80xi32, #tpu.memory_space<vmem>>) target_semaphore(%arg14 : memref<!tpu.dma_semaphore, #tpu.memory_space<semaphore_mem>>)
    %dma_wait3A_74 = arith.constant 1 : i32
    %dma_wait3A_75 = arith.constant 0 : i32
    %dma_wait3A_76 = arith.constant 0 : i32
    %dma_wait3A_77 = tpu.memref_slice %arg3[%add3A, %dma_wait3A_74, %dma_wait3A_75, %dma_wait3A_76] : memref<32x5x25x80xi32, #tpu.memory_space<hbm>> -> memref<1x1x25x80xi32, #tpu.memory_space<hbm>>
    %dma_wait3A_78 = tpu.memref_squeeze %dma_wait3A_77 : memref<1x1x25x80xi32, #tpu.memory_space<hbm>> -> memref<25x80xi32, #tpu.memory_space<hbm>>
    %dma_wait3A_79 = arith.constant 0 : i32
    %dma_wait3A_80 = arith.constant 0 : i32
    %dma_wait3A_81 = tpu.memref_slice %arg3[%add3A, %dma_wait3A_74, %dma_wait3A_79, %dma_wait3A_80] : memref<32x5x25x80xi32, #tpu.memory_space<hbm>> -> memref<1x1x25x80xi32, #tpu.memory_space<hbm>>
    %dma_wait3A_82 = tpu.memref_squeeze %dma_wait3A_81 : memref<1x1x25x80xi32, #tpu.memory_space<hbm>> -> memref<25x80xi32, #tpu.memory_space<hbm>>
    tpu.wait_dma2 semaphore(%arg14 : memref<!tpu.dma_semaphore, #tpu.memory_space<semaphore_mem>>) src(%dma_wait3A_82 : memref<25x80xi32, #tpu.memory_space<hbm>>) dst(%arg7 : memref<25x80xi32, #tpu.memory_space<vmem>>)
    %dma_wait3A_83 = arith.constant 1 : i32
    %dma_wait3A_84 = arith.constant 0 : i32
    %dma_wait3A_85 = arith.constant 0 : i32
    %dma_wait3A_86 = tpu.memref_slice %arg4[%add3A, %dma_wait3A_83, %dma_wait3A_84, %dma_wait3A_85] : memref<32x5x25x80xi32, #tpu.memory_space<hbm>> -> memref<1x1x25x80xi32, #tpu.memory_space<hbm>>
    %dma_wait3A_87 = tpu.memref_squeeze %dma_wait3A_86 : memref<1x1x25x80xi32, #tpu.memory_space<hbm>> -> memref<25x80xi32, #tpu.memory_space<hbm>>
    %dma_wait3A_88 = arith.constant 0 : i32
    %dma_wait3A_89 = arith.constant 0 : i32
    %dma_wait3A_90 = tpu.memref_slice %arg4[%add3A, %dma_wait3A_83, %dma_wait3A_88, %dma_wait3A_89] : memref<32x5x25x80xi32, #tpu.memory_space<hbm>> -> memref<1x1x25x80xi32, #tpu.memory_space<hbm>>
    %dma_wait3A_91 = tpu.memref_squeeze %dma_wait3A_90 : memref<1x1x25x80xi32, #tpu.memory_space<hbm>> -> memref<25x80xi32, #tpu.memory_space<hbm>>
    tpu.wait_dma2 semaphore(%arg14 : memref<!tpu.dma_semaphore, #tpu.memory_space<semaphore_mem>>) src(%dma_wait3A_91 : memref<25x80xi32, #tpu.memory_space<hbm>>) dst(%arg8 : memref<25x80xi32, #tpu.memory_space<vmem>>)
    %dma_start3A_92 = arith.constant 0 : i32
    %dma_start3A_93 = arith.constant 0 : i32
    %dma_start3A_94 = tpu.memref_slice %arg7[%dma_start3A_92, %dma_start3A_93] : memref<25x80xi32, #tpu.memory_space<vmem>> -> memref<1x80xi32, #tpu.memory_space<vmem>>
    %dma_start3A_95 = tpu.memref_squeeze %dma_start3A_94 : memref<1x80xi32, #tpu.memory_space<vmem>> -> memref<80xi32, #tpu.memory_space<vmem>>
    %dma_start3A_96 = arith.constant 0 : i32
    %dma_start3A_97 = arith.constant 0 : i32
    %dma_start3A_98 = tpu.memref_slice %arg2[%dma_start3A_96, %dma_start3A_97] : memref<10000x128xf32, #tpu.memory_space<hbm>> -> memref<10000x128xf32, #tpu.memory_space<hbm>>
    tpu.enqueue_indirect_dma source(%dma_start3A_98 : memref<10000x128xf32, #tpu.memory_space<hbm>>) target(%arg9 : memref<80x128xf32, #tpu.memory_space<vmem>>) offsets(%dma_start3A_95 : memref<80xi32, #tpu.memory_space<vmem>>) semaphore(%arg12 : memref<!tpu.dma_semaphore, #tpu.memory_space<semaphore_mem>>)
    %scan3A_99 = arith.constant 0 : i32
    %scan3A_100 = arith.constant 0 : i32
    %scan3A_101 = arith.constant 12 : i32
    %scan3A_102 = arith.addi %scan3A_100, %scan3A_101 : i32
    %scan3A_103 = arith.constant 1 : i32
    scf.for %scan3A_289 = %scan3A_100 to %scan3A_102 step %scan3A_103  : i32 {
      %mul3A_290 = arith.constant 2 : i32
      %mul3A_291 = arith.muli %scan3A_289, %mul3A_290 : i32
      %add3A_292 = arith.constant 0 : i32
      %add3A_293 = arith.addi %mul3A_291, %add3A_292 : i32
      %add3A_294 = arith.constant 1 : i32
      %add3A_295 = arith.addi %add3A_293, %add3A_294 : i32
      %dma_start3A_296 = arith.constant 0 : i32
      %dma_start3A_297 = tpu.memref_slice %arg7[%add3A_295, %dma_start3A_296] : memref<25x80xi32, #tpu.memory_space<vmem>> -> memref<1x80xi32, #tpu.memory_space<vmem>>
      %dma_start3A_298 = tpu.memref_squeeze %dma_start3A_297 : memref<1x80xi32, #tpu.memory_space<vmem>> -> memref<80xi32, #tpu.memory_space<vmem>>
      %dma_start3A_299 = arith.constant 0 : i32
      %dma_start3A_300 = arith.constant 0 : i32
      %dma_start3A_301 = tpu.memref_slice %arg2[%dma_start3A_299, %dma_start3A_300] : memref<10000x128xf32, #tpu.memory_space<hbm>> -> memref<10000x128xf32, #tpu.memory_space<hbm>>
      tpu.enqueue_indirect_dma source(%dma_start3A_301 : memref<10000x128xf32, #tpu.memory_space<hbm>>) target(%arg10 : memref<80x128xf32, #tpu.memory_space<vmem>>) offsets(%dma_start3A_298 : memref<80xi32, #tpu.memory_space<vmem>>) semaphore(%arg13 : memref<!tpu.dma_semaphore, #tpu.memory_space<semaphore_mem>>)
      %dma_wait3A_302 = arith.constant 0 : i32
      %dma_wait3A_303 = tpu.memref_slice %arg7[%add3A_293, %dma_wait3A_302] : memref<25x80xi32, #tpu.memory_space<vmem>> -> memref<1x80xi32, #tpu.memory_space<vmem>>
      %dma_wait3A_304 = tpu.memref_squeeze %dma_wait3A_303 : memref<1x80xi32, #tpu.memory_space<vmem>> -> memref<80xi32, #tpu.memory_space<vmem>>
      %dma_wait3A_305 = arith.constant 0 : i32
      %dma_wait3A_306 = arith.constant 0 : i32
      %dma_wait3A_307 = tpu.memref_slice %arg2[%dma_wait3A_305, %dma_wait3A_306] : memref<10000x128xf32, #tpu.memory_space<hbm>> -> memref<10000x128xf32, #tpu.memory_space<hbm>>
      tpu.wait_indirect_dma semaphore(%arg12 : memref<!tpu.dma_semaphore, #tpu.memory_space<semaphore_mem>>) src(%dma_wait3A_307 : memref<10000x128xf32, #tpu.memory_space<hbm>>) dst(%arg9 : memref<80x128xf32, #tpu.memory_space<vmem>>)
      "tpu.region"() ({
        %run_scoped3A_326 = tpu.sem_alloc : memref<!tpu.dma_semaphore, #tpu.memory_space<semaphore_mem>>
        %dma_start3A_327 = arith.constant 0 : i32
        %dma_start3A_328 = tpu.memref_slice %arg8[%add3A_293, %dma_start3A_327] : memref<25x80xi32, #tpu.memory_space<vmem>> -> memref<1x80xi32, #tpu.memory_space<vmem>>
        %dma_start3A_329 = tpu.memref_squeeze %dma_start3A_328 : memref<1x80xi32, #tpu.memory_space<vmem>> -> memref<80xi32, #tpu.memory_space<vmem>>
        %dma_start3A_330 = arith.constant 0 : i32
        %dma_start3A_331 = arith.constant 0 : i32
        %dma_start3A_332 = tpu.memref_slice %arg11[%dma_start3A_330, %dma_start3A_331] : memref<10240x128xf32, #tpu.memory_space<vmem_shared>> -> memref<10240x128xf32, #tpu.memory_space<vmem_shared>>
        tpu.enqueue_indirect_dma source(%arg9 : memref<80x128xf32, #tpu.memory_space<vmem>>) target(%dma_start3A_332 : memref<10240x128xf32, #tpu.memory_space<vmem_shared>>) offsets(%dma_start3A_329 : memref<80xi32, #tpu.memory_space<vmem>>) semaphore(%run_scoped3A_326 : memref<!tpu.dma_semaphore, #tpu.memory_space<semaphore_mem>>) {add = true}
        %dma_wait3A_333 = arith.constant 0 : i32
        %dma_wait3A_334 = tpu.memref_slice %arg8[%add3A_293, %dma_wait3A_333] : memref<25x80xi32, #tpu.memory_space<vmem>> -> memref<1x80xi32, #tpu.memory_space<vmem>>
        %dma_wait3A_335 = tpu.memref_squeeze %dma_wait3A_334 : memref<1x80xi32, #tpu.memory_space<vmem>> -> memref<80xi32, #tpu.memory_space<vmem>>
        %dma_wait3A_336 = arith.constant 0 : i32
        %dma_wait3A_337 = arith.constant 0 : i32
        %dma_wait3A_338 = tpu.memref_slice %arg11[%dma_wait3A_336, %dma_wait3A_337] : memref<10240x128xf32, #tpu.memory_space<vmem_shared>> -> memref<10240x128xf32, #tpu.memory_space<vmem_shared>>
        tpu.wait_indirect_dma semaphore(%run_scoped3A_326 : memref<!tpu.dma_semaphore, #tpu.memory_space<semaphore_mem>>) src(%arg9 : memref<80x128xf32, #tpu.memory_space<vmem>>) dst(%dma_wait3A_338 : memref<10240x128xf32, #tpu.memory_space<vmem_shared>>)
        tpu.yield
      }) : () -> ()
      %mul3A_308 = arith.constant 2 : i32
      %mul3A_309 = arith.muli %scan3A_289, %mul3A_308 : i32
      %add3A_310 = arith.constant 1 : i32
      %add3A_311 = arith.addi %mul3A_309, %add3A_310 : i32
      %add3A_312 = arith.constant 1 : i32
      %add3A_313 = arith.addi %add3A_311, %add3A_312 : i32
      %dma_start3A_314 = arith.constant 0 : i32
      %dma_start3A_315 = tpu.memref_slice %arg7[%add3A_313, %dma_start3A_314] : memref<25x80xi32, #tpu.memory_space<vmem>> -> memref<1x80xi32, #tpu.memory_space<vmem>>
      %dma_start3A_316 = tpu.memref_squeeze %dma_start3A_315 : memref<1x80xi32, #tpu.memory_space<vmem>> -> memref<80xi32, #tpu.memory_space<vmem>>
      %dma_start3A_317 = arith.constant 0 : i32
      %dma_start3A_318 = arith.constant 0 : i32
      %dma_start3A_319 = tpu.memref_slice %arg2[%dma_start3A_317, %dma_start3A_318] : memref<10000x128xf32, #tpu.memory_space<hbm>> -> memref<10000x128xf32, #tpu.memory_space<hbm>>
      tpu.enqueue_indirect_dma source(%dma_start3A_319 : memref<10000x128xf32, #tpu.memory_space<hbm>>) target(%arg9 : memref<80x128xf32, #tpu.memory_space<vmem>>) offsets(%dma_start3A_316 : memref<80xi32, #tpu.memory_space<vmem>>) semaphore(%arg12 : memref<!tpu.dma_semaphore, #tpu.memory_space<semaphore_mem>>)
      %dma_wait3A_320 = arith.constant 0 : i32
      %dma_wait3A_321 = tpu.memref_slice %arg7[%add3A_311, %dma_wait3A_320] : memref<25x80xi32, #tpu.memory_space<vmem>> -> memref<1x80xi32, #tpu.memory_space<vmem>>
      %dma_wait3A_322 = tpu.memref_squeeze %dma_wait3A_321 : memref<1x80xi32, #tpu.memory_space<vmem>> -> memref<80xi32, #tpu.memory_space<vmem>>
      %dma_wait3A_323 = arith.constant 0 : i32
      %dma_wait3A_324 = arith.constant 0 : i32
      %dma_wait3A_325 = tpu.memref_slice %arg2[%dma_wait3A_323, %dma_wait3A_324] : memref<10000x128xf32, #tpu.memory_space<hbm>> -> memref<10000x128xf32, #tpu.memory_space<hbm>>
      tpu.wait_indirect_dma semaphore(%arg13 : memref<!tpu.dma_semaphore, #tpu.memory_space<semaphore_mem>>) src(%dma_wait3A_325 : memref<10000x128xf32, #tpu.memory_space<hbm>>) dst(%arg10 : memref<80x128xf32, #tpu.memory_space<vmem>>)
      "tpu.region"() ({
        %run_scoped3A_326 = tpu.sem_alloc : memref<!tpu.dma_semaphore, #tpu.memory_space<semaphore_mem>>
        %dma_start3A_327 = arith.constant 0 : i32
        %dma_start3A_328 = tpu.memref_slice %arg8[%add3A_311, %dma_start3A_327] : memref<25x80xi32, #tpu.memory_space<vmem>> -> memref<1x80xi32, #tpu.memory_space<vmem>>
        %dma_start3A_329 = tpu.memref_squeeze %dma_start3A_328 : memref<1x80xi32, #tpu.memory_space<vmem>> -> memref<80xi32, #tpu.memory_space<vmem>>
        %dma_start3A_330 = arith.constant 0 : i32
        %dma_start3A_331 = arith.constant 0 : i32
        %dma_start3A_332 = tpu.memref_slice %arg11[%dma_start3A_330, %dma_start3A_331] : memref<10240x128xf32, #tpu.memory_space<vmem_shared>> -> memref<10240x128xf32, #tpu.memory_space<vmem_shared>>
        tpu.enqueue_indirect_dma source(%arg10 : memref<80x128xf32, #tpu.memory_space<vmem>>) target(%dma_start3A_332 : memref<10240x128xf32, #tpu.memory_space<vmem_shared>>) offsets(%dma_start3A_329 : memref<80xi32, #tpu.memory_space<vmem>>) semaphore(%run_scoped3A_326 : memref<!tpu.dma_semaphore, #tpu.memory_space<semaphore_mem>>) {add = true}
        %dma_wait3A_333 = arith.constant 0 : i32
        %dma_wait3A_334 = tpu.memref_slice %arg8[%add3A_311, %dma_wait3A_333] : memref<25x80xi32, #tpu.memory_space<vmem>> -> memref<1x80xi32, #tpu.memory_space<vmem>>
        %dma_wait3A_335 = tpu.memref_squeeze %dma_wait3A_334 : memref<1x80xi32, #tpu.memory_space<vmem>> -> memref<80xi32, #tpu.memory_space<vmem>>
        %dma_wait3A_336 = arith.constant 0 : i32
        %dma_wait3A_337 = arith.constant 0 : i32
        %dma_wait3A_338 = tpu.memref_slice %arg11[%dma_wait3A_336, %dma_wait3A_337] : memref<10240x128xf32, #tpu.memory_space<vmem_shared>> -> memref<10240x128xf32, #tpu.memory_space<vmem_shared>>
        tpu.wait_indirect_dma semaphore(%run_scoped3A_326 : memref<!tpu.dma_semaphore, #tpu.memory_space<semaphore_mem>>) src(%arg10 : memref<80x128xf32, #tpu.memory_space<vmem>>) dst(%dma_wait3A_338 : memref<10240x128xf32, #tpu.memory_space<vmem_shared>>)
        tpu.yield
      }) : () -> ()
    }
    %scan3A_104 = arith.constant 12 : i32
    %dma_wait3A_105 = arith.constant 24 : i32
    %dma_wait3A_106 = arith.constant 0 : i32
    %dma_wait3A_107 = tpu.memref_slice %arg7[%dma_wait3A_105, %dma_wait3A_106] : memref<25x80xi32, #tpu.memory_space<vmem>> -> memref<1x80xi32, #tpu.memory_space<vmem>>
    %dma_wait3A_108 = tpu.memref_squeeze %dma_wait3A_107 : memref<1x80xi32, #tpu.memory_space<vmem>> -> memref<80xi32, #tpu.memory_space<vmem>>
    %dma_wait3A_109 = arith.constant 0 : i32
    %dma_wait3A_110 = arith.constant 0 : i32
    %dma_wait3A_111 = tpu.memref_slice %arg2[%dma_wait3A_109, %dma_wait3A_110] : memref<10000x128xf32, #tpu.memory_space<hbm>> -> memref<10000x128xf32, #tpu.memory_space<hbm>>
    tpu.wait_indirect_dma semaphore(%arg12 : memref<!tpu.dma_semaphore, #tpu.memory_space<semaphore_mem>>) src(%dma_wait3A_111 : memref<10000x128xf32, #tpu.memory_space<hbm>>) dst(%arg9 : memref<80x128xf32, #tpu.memory_space<vmem>>)
    %run_scoped3A_112 = arith.constant 24 : i32
    "tpu.region"() ({
      %run_scoped3A_289 = tpu.sem_alloc : memref<!tpu.dma_semaphore, #tpu.memory_space<semaphore_mem>>
      %dma_start3A_290 = arith.constant 0 : i32
      %dma_start3A_291 = tpu.memref_slice %arg8[%run_scoped3A_112, %dma_start3A_290] : memref<25x80xi32, #tpu.memory_space<vmem>> -> memref<1x80xi32, #tpu.memory_space<vmem>>
      %dma_start3A_292 = tpu.memref_squeeze %dma_start3A_291 : memref<1x80xi32, #tpu.memory_space<vmem>> -> memref<80xi32, #tpu.memory_space<vmem>>
      %dma_start3A_293 = arith.constant 0 : i32
      %dma_start3A_294 = arith.constant 0 : i32
      %dma_start3A_295 = tpu.memref_slice %arg11[%dma_start3A_293, %dma_start3A_294] : memref<10240x128xf32, #tpu.memory_space<vmem_shared>> -> memref<10240x128xf32, #tpu.memory_space<vmem_shared>>
      tpu.enqueue_indirect_dma source(%arg9 : memref<80x128xf32, #tpu.memory_space<vmem>>) target(%dma_start3A_295 : memref<10240x128xf32, #tpu.memory_space<vmem_shared>>) offsets(%dma_start3A_292 : memref<80xi32, #tpu.memory_space<vmem>>) semaphore(%run_scoped3A_289 : memref<!tpu.dma_semaphore, #tpu.memory_space<semaphore_mem>>) {add = true}
      %dma_wait3A_296 = arith.constant 0 : i32
      %dma_wait3A_297 = tpu.memref_slice %arg8[%run_scoped3A_112, %dma_wait3A_296] : memref<25x80xi32, #tpu.memory_space<vmem>> -> memref<1x80xi32, #tpu.memory_space<vmem>>
      %dma_wait3A_298 = tpu.memref_squeeze %dma_wait3A_297 : memref<1x80xi32, #tpu.memory_space<vmem>> -> memref<80xi32, #tpu.memory_space<vmem>>
      %dma_wait3A_299 = arith.constant 0 : i32
      %dma_wait3A_300 = arith.constant 0 : i32
      %dma_wait3A_301 = tpu.memref_slice %arg11[%dma_wait3A_299, %dma_wait3A_300] : memref<10240x128xf32, #tpu.memory_space<vmem_shared>> -> memref<10240x128xf32, #tpu.memory_space<vmem_shared>>
      tpu.wait_indirect_dma semaphore(%run_scoped3A_289 : memref<!tpu.dma_semaphore, #tpu.memory_space<semaphore_mem>>) src(%arg9 : memref<80x128xf32, #tpu.memory_space<vmem>>) dst(%dma_wait3A_301 : memref<10240x128xf32, #tpu.memory_space<vmem_shared>>)
      tpu.yield
    }) : () -> ()
    %dma_start3A_113 = arith.constant 2 : i32
    %dma_start3A_114 = arith.constant 0 : i32
    %dma_start3A_115 = arith.constant 0 : i32
    %dma_start3A_116 = tpu.memref_slice %arg3[%add3A, %dma_start3A_113, %dma_start3A_114, %dma_start3A_115] : memref<32x5x25x80xi32, #tpu.memory_space<hbm>> -> memref<1x1x25x80xi32, #tpu.memory_space<hbm>>
    %dma_start3A_117 = tpu.memref_squeeze %dma_start3A_116 : memref<1x1x25x80xi32, #tpu.memory_space<hbm>> -> memref<25x80xi32, #tpu.memory_space<hbm>>
    %dma_start3A_118 = arith.constant 0 : i32
    %dma_start3A_119 = arith.constant 0 : i32
    %dma_start3A_120 = tpu.memref_slice %arg3[%add3A, %dma_start3A_113, %dma_start3A_118, %dma_start3A_119] : memref<32x5x25x80xi32, #tpu.memory_space<hbm>> -> memref<1x1x25x80xi32, #tpu.memory_space<hbm>>
    %dma_start3A_121 = tpu.memref_squeeze %dma_start3A_120 : memref<1x1x25x80xi32, #tpu.memory_space<hbm>> -> memref<25x80xi32, #tpu.memory_space<hbm>>
    tpu.enqueue_dma source(%dma_start3A_121 : memref<25x80xi32, #tpu.memory_space<hbm>>) target(%arg7 : memref<25x80xi32, #tpu.memory_space<vmem>>) target_semaphore(%arg14 : memref<!tpu.dma_semaphore, #tpu.memory_space<semaphore_mem>>)
    %dma_start3A_122 = arith.constant 2 : i32
    %dma_start3A_123 = arith.constant 0 : i32
    %dma_start3A_124 = arith.constant 0 : i32
    %dma_start3A_125 = tpu.memref_slice %arg4[%add3A, %dma_start3A_122, %dma_start3A_123, %dma_start3A_124] : memref<32x5x25x80xi32, #tpu.memory_space<hbm>> -> memref<1x1x25x80xi32, #tpu.memory_space<hbm>>
    %dma_start3A_126 = tpu.memref_squeeze %dma_start3A_125 : memref<1x1x25x80xi32, #tpu.memory_space<hbm>> -> memref<25x80xi32, #tpu.memory_space<hbm>>
    %dma_start3A_127 = arith.constant 0 : i32
    %dma_start3A_128 = arith.constant 0 : i32
    %dma_start3A_129 = tpu.memref_slice %arg4[%add3A, %dma_start3A_122, %dma_start3A_127, %dma_start3A_128] : memref<32x5x25x80xi32, #tpu.memory_space<hbm>> -> memref<1x1x25x80xi32, #tpu.memory_space<hbm>>
    %dma_start3A_130 = tpu.memref_squeeze %dma_start3A_129 : memref<1x1x25x80xi32, #tpu.memory_space<hbm>> -> memref<25x80xi32, #tpu.memory_space<hbm>>
    tpu.enqueue_dma source(%dma_start3A_130 : memref<25x80xi32, #tpu.memory_space<hbm>>) target(%arg8 : memref<25x80xi32, #tpu.memory_space<vmem>>) target_semaphore(%arg14 : memref<!tpu.dma_semaphore, #tpu.memory_space<semaphore_mem>>)
    %dma_wait3A_131 = arith.constant 2 : i32
    %dma_wait3A_132 = arith.constant 0 : i32
    %dma_wait3A_133 = arith.constant 0 : i32
    %dma_wait3A_134 = tpu.memref_slice %arg3[%add3A, %dma_wait3A_131, %dma_wait3A_132, %dma_wait3A_133] : memref<32x5x25x80xi32, #tpu.memory_space<hbm>> -> memref<1x1x25x80xi32, #tpu.memory_space<hbm>>
    %dma_wait3A_135 = tpu.memref_squeeze %dma_wait3A_134 : memref<1x1x25x80xi32, #tpu.memory_space<hbm>> -> memref<25x80xi32, #tpu.memory_space<hbm>>
    %dma_wait3A_136 = arith.constant 0 : i32
    %dma_wait3A_137 = arith.constant 0 : i32
    %dma_wait3A_138 = tpu.memref_slice %arg3[%add3A, %dma_wait3A_131, %dma_wait3A_136, %dma_wait3A_137] : memref<32x5x25x80xi32, #tpu.memory_space<hbm>> -> memref<1x1x25x80xi32, #tpu.memory_space<hbm>>
    %dma_wait3A_139 = tpu.memref_squeeze %dma_wait3A_138 : memref<1x1x25x80xi32, #tpu.memory_space<hbm>> -> memref<25x80xi32, #tpu.memory_space<hbm>>
    tpu.wait_dma2 semaphore(%arg14 : memref<!tpu.dma_semaphore, #tpu.memory_space<semaphore_mem>>) src(%dma_wait3A_139 : memref<25x80xi32, #tpu.memory_space<hbm>>) dst(%arg7 : memref<25x80xi32, #tpu.memory_space<vmem>>)
    %dma_wait3A_140 = arith.constant 2 : i32
    %dma_wait3A_141 = arith.constant 0 : i32
    %dma_wait3A_142 = arith.constant 0 : i32
    %dma_wait3A_143 = tpu.memref_slice %arg4[%add3A, %dma_wait3A_140, %dma_wait3A_141, %dma_wait3A_142] : memref<32x5x25x80xi32, #tpu.memory_space<hbm>> -> memref<1x1x25x80xi32, #tpu.memory_space<hbm>>
    %dma_wait3A_144 = tpu.memref_squeeze %dma_wait3A_143 : memref<1x1x25x80xi32, #tpu.memory_space<hbm>> -> memref<25x80xi32, #tpu.memory_space<hbm>>
    %dma_wait3A_145 = arith.constant 0 : i32
    %dma_wait3A_146 = arith.constant 0 : i32
    %dma_wait3A_147 = tpu.memref_slice %arg4[%add3A, %dma_wait3A_140, %dma_wait3A_145, %dma_wait3A_146] : memref<32x5x25x80xi32, #tpu.memory_space<hbm>> -> memref<1x1x25x80xi32, #tpu.memory_space<hbm>>
    %dma_wait3A_148 = tpu.memref_squeeze %dma_wait3A_147 : memref<1x1x25x80xi32, #tpu.memory_space<hbm>> -> memref<25x80xi32, #tpu.memory_space<hbm>>
    tpu.wait_dma2 semaphore(%arg14 : memref<!tpu.dma_semaphore, #tpu.memory_space<semaphore_mem>>) src(%dma_wait3A_148 : memref<25x80xi32, #tpu.memory_space<hbm>>) dst(%arg8 : memref<25x80xi32, #tpu.memory_space<vmem>>)
    %dma_start3A_149 = arith.constant 0 : i32
    %dma_start3A_150 = arith.constant 0 : i32
    %dma_start3A_151 = tpu.memref_slice %arg7[%dma_start3A_149, %dma_start3A_150] : memref<25x80xi32, #tpu.memory_space<vmem>> -> memref<1x80xi32, #tpu.memory_space<vmem>>
    %dma_start3A_152 = tpu.memref_squeeze %dma_start3A_151 : memref<1x80xi32, #tpu.memory_space<vmem>> -> memref<80xi32, #tpu.memory_space<vmem>>
    %dma_start3A_153 = arith.constant 0 : i32
    %dma_start3A_154 = arith.constant 0 : i32
    %dma_start3A_155 = tpu.memref_slice %arg2[%dma_start3A_153, %dma_start3A_154] : memref<10000x128xf32, #tpu.memory_space<hbm>> -> memref<10000x128xf32, #tpu.memory_space<hbm>>
    tpu.enqueue_indirect_dma source(%dma_start3A_155 : memref<10000x128xf32, #tpu.memory_space<hbm>>) target(%arg9 : memref<80x128xf32, #tpu.memory_space<vmem>>) offsets(%dma_start3A_152 : memref<80xi32, #tpu.memory_space<vmem>>) semaphore(%arg12 : memref<!tpu.dma_semaphore, #tpu.memory_space<semaphore_mem>>)
    %scan3A_156 = arith.constant 0 : i32
    %scan3A_157 = arith.constant 0 : i32
    %scan3A_158 = arith.constant 12 : i32
    %scan3A_159 = arith.addi %scan3A_157, %scan3A_158 : i32
    %scan3A_160 = arith.constant 1 : i32
    scf.for %scan3A_289 = %scan3A_157 to %scan3A_159 step %scan3A_160  : i32 {
      %mul3A_290 = arith.constant 2 : i32
      %mul3A_291 = arith.muli %scan3A_289, %mul3A_290 : i32
      %add3A_292 = arith.constant 0 : i32
      %add3A_293 = arith.addi %mul3A_291, %add3A_292 : i32
      %add3A_294 = arith.constant 1 : i32
      %add3A_295 = arith.addi %add3A_293, %add3A_294 : i32
      %dma_start3A_296 = arith.constant 0 : i32
      %dma_start3A_297 = tpu.memref_slice %arg7[%add3A_295, %dma_start3A_296] : memref<25x80xi32, #tpu.memory_space<vmem>> -> memref<1x80xi32, #tpu.memory_space<vmem>>
      %dma_start3A_298 = tpu.memref_squeeze %dma_start3A_297 : memref<1x80xi32, #tpu.memory_space<vmem>> -> memref<80xi32, #tpu.memory_space<vmem>>
      %dma_start3A_299 = arith.constant 0 : i32
      %dma_start3A_300 = arith.constant 0 : i32
      %dma_start3A_301 = tpu.memref_slice %arg2[%dma_start3A_299, %dma_start3A_300] : memref<10000x128xf32, #tpu.memory_space<hbm>> -> memref<10000x128xf32, #tpu.memory_space<hbm>>
      tpu.enqueue_indirect_dma source(%dma_start3A_301 : memref<10000x128xf32, #tpu.memory_space<hbm>>) target(%arg10 : memref<80x128xf32, #tpu.memory_space<vmem>>) offsets(%dma_start3A_298 : memref<80xi32, #tpu.memory_space<vmem>>) semaphore(%arg13 : memref<!tpu.dma_semaphore, #tpu.memory_space<semaphore_mem>>)
      %dma_wait3A_302 = arith.constant 0 : i32
      %dma_wait3A_303 = tpu.memref_slice %arg7[%add3A_293, %dma_wait3A_302] : memref<25x80xi32, #tpu.memory_space<vmem>> -> memref<1x80xi32, #tpu.memory_space<vmem>>
      %dma_wait3A_304 = tpu.memref_squeeze %dma_wait3A_303 : memref<1x80xi32, #tpu.memory_space<vmem>> -> memref<80xi32, #tpu.memory_space<vmem>>
      %dma_wait3A_305 = arith.constant 0 : i32
      %dma_wait3A_306 = arith.constant 0 : i32
      %dma_wait3A_307 = tpu.memref_slice %arg2[%dma_wait3A_305, %dma_wait3A_306] : memref<10000x128xf32, #tpu.memory_space<hbm>> -> memref<10000x128xf32, #tpu.memory_space<hbm>>
      tpu.wait_indirect_dma semaphore(%arg12 : memref<!tpu.dma_semaphore, #tpu.memory_space<semaphore_mem>>) src(%dma_wait3A_307 : memref<10000x128xf32, #tpu.memory_space<hbm>>) dst(%arg9 : memref<80x128xf32, #tpu.memory_space<vmem>>)
      "tpu.region"() ({
        %run_scoped3A_326 = tpu.sem_alloc : memref<!tpu.dma_semaphore, #tpu.memory_space<semaphore_mem>>
        %dma_start3A_327 = arith.constant 0 : i32
        %dma_start3A_328 = tpu.memref_slice %arg8[%add3A_293, %dma_start3A_327] : memref<25x80xi32, #tpu.memory_space<vmem>> -> memref<1x80xi32, #tpu.memory_space<vmem>>
        %dma_start3A_329 = tpu.memref_squeeze %dma_start3A_328 : memref<1x80xi32, #tpu.memory_space<vmem>> -> memref<80xi32, #tpu.memory_space<vmem>>
        %dma_start3A_330 = arith.constant 0 : i32
        %dma_start3A_331 = arith.constant 0 : i32
        %dma_start3A_332 = tpu.memref_slice %arg11[%dma_start3A_330, %dma_start3A_331] : memref<10240x128xf32, #tpu.memory_space<vmem_shared>> -> memref<10240x128xf32, #tpu.memory_space<vmem_shared>>
        tpu.enqueue_indirect_dma source(%arg9 : memref<80x128xf32, #tpu.memory_space<vmem>>) target(%dma_start3A_332 : memref<10240x128xf32, #tpu.memory_space<vmem_shared>>) offsets(%dma_start3A_329 : memref<80xi32, #tpu.memory_space<vmem>>) semaphore(%run_scoped3A_326 : memref<!tpu.dma_semaphore, #tpu.memory_space<semaphore_mem>>) {add = true}
        %dma_wait3A_333 = arith.constant 0 : i32
        %dma_wait3A_334 = tpu.memref_slice %arg8[%add3A_293, %dma_wait3A_333] : memref<25x80xi32, #tpu.memory_space<vmem>> -> memref<1x80xi32, #tpu.memory_space<vmem>>
        %dma_wait3A_335 = tpu.memref_squeeze %dma_wait3A_334 : memref<1x80xi32, #tpu.memory_space<vmem>> -> memref<80xi32, #tpu.memory_space<vmem>>
        %dma_wait3A_336 = arith.constant 0 : i32
        %dma_wait3A_337 = arith.constant 0 : i32
        %dma_wait3A_338 = tpu.memref_slice %arg11[%dma_wait3A_336, %dma_wait3A_337] : memref<10240x128xf32, #tpu.memory_space<vmem_shared>> -> memref<10240x128xf32, #tpu.memory_space<vmem_shared>>
        tpu.wait_indirect_dma semaphore(%run_scoped3A_326 : memref<!tpu.dma_semaphore, #tpu.memory_space<semaphore_mem>>) src(%arg9 : memref<80x128xf32, #tpu.memory_space<vmem>>) dst(%dma_wait3A_338 : memref<10240x128xf32, #tpu.memory_space<vmem_shared>>)
        tpu.yield
      }) : () -> ()
      %mul3A_308 = arith.constant 2 : i32
      %mul3A_309 = arith.muli %scan3A_289, %mul3A_308 : i32
      %add3A_310 = arith.constant 1 : i32
      %add3A_311 = arith.addi %mul3A_309, %add3A_310 : i32
      %add3A_312 = arith.constant 1 : i32
      %add3A_313 = arith.addi %add3A_311, %add3A_312 : i32
      %dma_start3A_314 = arith.constant 0 : i32
      %dma_start3A_315 = tpu.memref_slice %arg7[%add3A_313, %dma_start3A_314] : memref<25x80xi32, #tpu.memory_space<vmem>> -> memref<1x80xi32, #tpu.memory_space<vmem>>
      %dma_start3A_316 = tpu.memref_squeeze %dma_start3A_315 : memref<1x80xi32, #tpu.memory_space<vmem>> -> memref<80xi32, #tpu.memory_space<vmem>>
      %dma_start3A_317 = arith.constant 0 : i32
      %dma_start3A_318 = arith.constant 0 : i32
      %dma_start3A_319 = tpu.memref_slice %arg2[%dma_start3A_317, %dma_start3A_318] : memref<10000x128xf32, #tpu.memory_space<hbm>> -> memref<10000x128xf32, #tpu.memory_space<hbm>>
      tpu.enqueue_indirect_dma source(%dma_start3A_319 : memref<10000x128xf32, #tpu.memory_space<hbm>>) target(%arg9 : memref<80x128xf32, #tpu.memory_space<vmem>>) offsets(%dma_start3A_316 : memref<80xi32, #tpu.memory_space<vmem>>) semaphore(%arg12 : memref<!tpu.dma_semaphore, #tpu.memory_space<semaphore_mem>>)
      %dma_wait3A_320 = arith.constant 0 : i32
      %dma_wait3A_321 = tpu.memref_slice %arg7[%add3A_311, %dma_wait3A_320] : memref<25x80xi32, #tpu.memory_space<vmem>> -> memref<1x80xi32, #tpu.memory_space<vmem>>
      %dma_wait3A_322 = tpu.memref_squeeze %dma_wait3A_321 : memref<1x80xi32, #tpu.memory_space<vmem>> -> memref<80xi32, #tpu.memory_space<vmem>>
      %dma_wait3A_323 = arith.constant 0 : i32
      %dma_wait3A_324 = arith.constant 0 : i32
      %dma_wait3A_325 = tpu.memref_slice %arg2[%dma_wait3A_323, %dma_wait3A_324] : memref<10000x128xf32, #tpu.memory_space<hbm>> -> memref<10000x128xf32, #tpu.memory_space<hbm>>
      tpu.wait_indirect_dma semaphore(%arg13 : memref<!tpu.dma_semaphore, #tpu.memory_space<semaphore_mem>>) src(%dma_wait3A_325 : memref<10000x128xf32, #tpu.memory_space<hbm>>) dst(%arg10 : memref<80x128xf32, #tpu.memory_space<vmem>>)
      "tpu.region"() ({
        %run_scoped3A_326 = tpu.sem_alloc : memref<!tpu.dma_semaphore, #tpu.memory_space<semaphore_mem>>
        %dma_start3A_327 = arith.constant 0 : i32
        %dma_start3A_328 = tpu.memref_slice %arg8[%add3A_311, %dma_start3A_327] : memref<25x80xi32, #tpu.memory_space<vmem>> -> memref<1x80xi32, #tpu.memory_space<vmem>>
        %dma_start3A_329 = tpu.memref_squeeze %dma_start3A_328 : memref<1x80xi32, #tpu.memory_space<vmem>> -> memref<80xi32, #tpu.memory_space<vmem>>
        %dma_start3A_330 = arith.constant 0 : i32
        %dma_start3A_331 = arith.constant 0 : i32
        %dma_start3A_332 = tpu.memref_slice %arg11[%dma_start3A_330, %dma_start3A_331] : memref<10240x128xf32, #tpu.memory_space<vmem_shared>> -> memref<10240x128xf32, #tpu.memory_space<vmem_shared>>
        tpu.enqueue_indirect_dma source(%arg10 : memref<80x128xf32, #tpu.memory_space<vmem>>) target(%dma_start3A_332 : memref<10240x128xf32, #tpu.memory_space<vmem_shared>>) offsets(%dma_start3A_329 : memref<80xi32, #tpu.memory_space<vmem>>) semaphore(%run_scoped3A_326 : memref<!tpu.dma_semaphore, #tpu.memory_space<semaphore_mem>>) {add = true}
        %dma_wait3A_333 = arith.constant 0 : i32
        %dma_wait3A_334 = tpu.memref_slice %arg8[%add3A_311, %dma_wait3A_333] : memref<25x80xi32, #tpu.memory_space<vmem>> -> memref<1x80xi32, #tpu.memory_space<vmem>>
        %dma_wait3A_335 = tpu.memref_squeeze %dma_wait3A_334 : memref<1x80xi32, #tpu.memory_space<vmem>> -> memref<80xi32, #tpu.memory_space<vmem>>
        %dma_wait3A_336 = arith.constant 0 : i32
        %dma_wait3A_337 = arith.constant 0 : i32
        %dma_wait3A_338 = tpu.memref_slice %arg11[%dma_wait3A_336, %dma_wait3A_337] : memref<10240x128xf32, #tpu.memory_space<vmem_shared>> -> memref<10240x128xf32, #tpu.memory_space<vmem_shared>>
        tpu.wait_indirect_dma semaphore(%run_scoped3A_326 : memref<!tpu.dma_semaphore, #tpu.memory_space<semaphore_mem>>) src(%arg10 : memref<80x128xf32, #tpu.memory_space<vmem>>) dst(%dma_wait3A_338 : memref<10240x128xf32, #tpu.memory_space<vmem_shared>>)
        tpu.yield
      }) : () -> ()
    }
    %scan3A_161 = arith.constant 12 : i32
    %dma_wait3A_162 = arith.constant 24 : i32
    %dma_wait3A_163 = arith.constant 0 : i32
    %dma_wait3A_164 = tpu.memref_slice %arg7[%dma_wait3A_162, %dma_wait3A_163] : memref<25x80xi32, #tpu.memory_space<vmem>> -> memref<1x80xi32, #tpu.memory_space<vmem>>
    %dma_wait3A_165 = tpu.memref_squeeze %dma_wait3A_164 : memref<1x80xi32, #tpu.memory_space<vmem>> -> memref<80xi32, #tpu.memory_space<vmem>>
    %dma_wait3A_166 = arith.constant 0 : i32
    %dma_wait3A_167 = arith.constant 0 : i32
    %dma_wait3A_168 = tpu.memref_slice %arg2[%dma_wait3A_166, %dma_wait3A_167] : memref<10000x128xf32, #tpu.memory_space<hbm>> -> memref<10000x128xf32, #tpu.memory_space<hbm>>
    tpu.wait_indirect_dma semaphore(%arg12 : memref<!tpu.dma_semaphore, #tpu.memory_space<semaphore_mem>>) src(%dma_wait3A_168 : memref<10000x128xf32, #tpu.memory_space<hbm>>) dst(%arg9 : memref<80x128xf32, #tpu.memory_space<vmem>>)
    %run_scoped3A_169 = arith.constant 24 : i32
    "tpu.region"() ({
      %run_scoped3A_289 = tpu.sem_alloc : memref<!tpu.dma_semaphore, #tpu.memory_space<semaphore_mem>>
      %dma_start3A_290 = arith.constant 0 : i32
      %dma_start3A_291 = tpu.memref_slice %arg8[%run_scoped3A_169, %dma_start3A_290] : memref<25x80xi32, #tpu.memory_space<vmem>> -> memref<1x80xi32, #tpu.memory_space<vmem>>
      %dma_start3A_292 = tpu.memref_squeeze %dma_start3A_291 : memref<1x80xi32, #tpu.memory_space<vmem>> -> memref<80xi32, #tpu.memory_space<vmem>>
      %dma_start3A_293 = arith.constant 0 : i32
      %dma_start3A_294 = arith.constant 0 : i32
      %dma_start3A_295 = tpu.memref_slice %arg11[%dma_start3A_293, %dma_start3A_294] : memref<10240x128xf32, #tpu.memory_space<vmem_shared>> -> memref<10240x128xf32, #tpu.memory_space<vmem_shared>>
      tpu.enqueue_indirect_dma source(%arg9 : memref<80x128xf32, #tpu.memory_space<vmem>>) target(%dma_start3A_295 : memref<10240x128xf32, #tpu.memory_space<vmem_shared>>) offsets(%dma_start3A_292 : memref<80xi32, #tpu.memory_space<vmem>>) semaphore(%run_scoped3A_289 : memref<!tpu.dma_semaphore, #tpu.memory_space<semaphore_mem>>) {add = true}
      %dma_wait3A_296 = arith.constant 0 : i32
      %dma_wait3A_297 = tpu.memref_slice %arg8[%run_scoped3A_169, %dma_wait3A_296] : memref<25x80xi32, #tpu.memory_space<vmem>> -> memref<1x80xi32, #tpu.memory_space<vmem>>
      %dma_wait3A_298 = tpu.memref_squeeze %dma_wait3A_297 : memref<1x80xi32, #tpu.memory_space<vmem>> -> memref<80xi32, #tpu.memory_space<vmem>>
      %dma_wait3A_299 = arith.constant 0 : i32
      %dma_wait3A_300 = arith.constant 0 : i32
      %dma_wait3A_301 = tpu.memref_slice %arg11[%dma_wait3A_299, %dma_wait3A_300] : memref<10240x128xf32, #tpu.memory_space<vmem_shared>> -> memref<10240x128xf32, #tpu.memory_space<vmem_shared>>
      tpu.wait_indirect_dma semaphore(%run_scoped3A_289 : memref<!tpu.dma_semaphore, #tpu.memory_space<semaphore_mem>>) src(%arg9 : memref<80x128xf32, #tpu.memory_space<vmem>>) dst(%dma_wait3A_301 : memref<10240x128xf32, #tpu.memory_space<vmem_shared>>)
      tpu.yield
    }) : () -> ()
    %dma_start3A_170 = arith.constant 3 : i32
    %dma_start3A_171 = arith.constant 0 : i32
    %dma_start3A_172 = arith.constant 0 : i32
    %dma_start3A_173 = tpu.memref_slice %arg3[%add3A, %dma_start3A_170, %dma_start3A_171, %dma_start3A_172] : memref<32x5x25x80xi32, #tpu.memory_space<hbm>> -> memref<1x1x25x80xi32, #tpu.memory_space<hbm>>
    %dma_start3A_174 = tpu.memref_squeeze %dma_start3A_173 : memref<1x1x25x80xi32, #tpu.memory_space<hbm>> -> memref<25x80xi32, #tpu.memory_space<hbm>>
    %dma_start3A_175 = arith.constant 0 : i32
    %dma_start3A_176 = arith.constant 0 : i32
    %dma_start3A_177 = tpu.memref_slice %arg3[%add3A, %dma_start3A_170, %dma_start3A_175, %dma_start3A_176] : memref<32x5x25x80xi32, #tpu.memory_space<hbm>> -> memref<1x1x25x80xi32, #tpu.memory_space<hbm>>
    %dma_start3A_178 = tpu.memref_squeeze %dma_start3A_177 : memref<1x1x25x80xi32, #tpu.memory_space<hbm>> -> memref<25x80xi32, #tpu.memory_space<hbm>>
    tpu.enqueue_dma source(%dma_start3A_178 : memref<25x80xi32, #tpu.memory_space<hbm>>) target(%arg7 : memref<25x80xi32, #tpu.memory_space<vmem>>) target_semaphore(%arg14 : memref<!tpu.dma_semaphore, #tpu.memory_space<semaphore_mem>>)
    %dma_start3A_179 = arith.constant 3 : i32
    %dma_start3A_180 = arith.constant 0 : i32
    %dma_start3A_181 = arith.constant 0 : i32
    %dma_start3A_182 = tpu.memref_slice %arg4[%add3A, %dma_start3A_179, %dma_start3A_180, %dma_start3A_181] : memref<32x5x25x80xi32, #tpu.memory_space<hbm>> -> memref<1x1x25x80xi32, #tpu.memory_space<hbm>>
    %dma_start3A_183 = tpu.memref_squeeze %dma_start3A_182 : memref<1x1x25x80xi32, #tpu.memory_space<hbm>> -> memref<25x80xi32, #tpu.memory_space<hbm>>
    %dma_start3A_184 = arith.constant 0 : i32
    %dma_start3A_185 = arith.constant 0 : i32
    %dma_start3A_186 = tpu.memref_slice %arg4[%add3A, %dma_start3A_179, %dma_start3A_184, %dma_start3A_185] : memref<32x5x25x80xi32, #tpu.memory_space<hbm>> -> memref<1x1x25x80xi32, #tpu.memory_space<hbm>>
    %dma_start3A_187 = tpu.memref_squeeze %dma_start3A_186 : memref<1x1x25x80xi32, #tpu.memory_space<hbm>> -> memref<25x80xi32, #tpu.memory_space<hbm>>
    tpu.enqueue_dma source(%dma_start3A_187 : memref<25x80xi32, #tpu.memory_space<hbm>>) target(%arg8 : memref<25x80xi32, #tpu.memory_space<vmem>>) target_semaphore(%arg14 : memref<!tpu.dma_semaphore, #tpu.memory_space<semaphore_mem>>)
    %dma_wait3A_188 = arith.constant 3 : i32
    %dma_wait3A_189 = arith.constant 0 : i32
    %dma_wait3A_190 = arith.constant 0 : i32
    %dma_wait3A_191 = tpu.memref_slice %arg3[%add3A, %dma_wait3A_188, %dma_wait3A_189, %dma_wait3A_190] : memref<32x5x25x80xi32, #tpu.memory_space<hbm>> -> memref<1x1x25x80xi32, #tpu.memory_space<hbm>>
    %dma_wait3A_192 = tpu.memref_squeeze %dma_wait3A_191 : memref<1x1x25x80xi32, #tpu.memory_space<hbm>> -> memref<25x80xi32, #tpu.memory_space<hbm>>
    %dma_wait3A_193 = arith.constant 0 : i32
    %dma_wait3A_194 = arith.constant 0 : i32
    %dma_wait3A_195 = tpu.memref_slice %arg3[%add3A, %dma_wait3A_188, %dma_wait3A_193, %dma_wait3A_194] : memref<32x5x25x80xi32, #tpu.memory_space<hbm>> -> memref<1x1x25x80xi32, #tpu.memory_space<hbm>>
    %dma_wait3A_196 = tpu.memref_squeeze %dma_wait3A_195 : memref<1x1x25x80xi32, #tpu.memory_space<hbm>> -> memref<25x80xi32, #tpu.memory_space<hbm>>
    tpu.wait_dma2 semaphore(%arg14 : memref<!tpu.dma_semaphore, #tpu.memory_space<semaphore_mem>>) src(%dma_wait3A_196 : memref<25x80xi32, #tpu.memory_space<hbm>>) dst(%arg7 : memref<25x80xi32, #tpu.memory_space<vmem>>)
    %dma_wait3A_197 = arith.constant 3 : i32
    %dma_wait3A_198 = arith.constant 0 : i32
    %dma_wait3A_199 = arith.constant 0 : i32
    %dma_wait3A_200 = tpu.memref_slice %arg4[%add3A, %dma_wait3A_197, %dma_wait3A_198, %dma_wait3A_199] : memref<32x5x25x80xi32, #tpu.memory_space<hbm>> -> memref<1x1x25x80xi32, #tpu.memory_space<hbm>>
    %dma_wait3A_201 = tpu.memref_squeeze %dma_wait3A_200 : memref<1x1x25x80xi32, #tpu.memory_space<hbm>> -> memref<25x80xi32, #tpu.memory_space<hbm>>
    %dma_wait3A_202 = arith.constant 0 : i32
    %dma_wait3A_203 = arith.constant 0 : i32
    %dma_wait3A_204 = tpu.memref_slice %arg4[%add3A, %dma_wait3A_197, %dma_wait3A_202, %dma_wait3A_203] : memref<32x5x25x80xi32, #tpu.memory_space<hbm>> -> memref<1x1x25x80xi32, #tpu.memory_space<hbm>>
    %dma_wait3A_205 = tpu.memref_squeeze %dma_wait3A_204 : memref<1x1x25x80xi32, #tpu.memory_space<hbm>> -> memref<25x80xi32, #tpu.memory_space<hbm>>
    tpu.wait_dma2 semaphore(%arg14 : memref<!tpu.dma_semaphore, #tpu.memory_space<semaphore_mem>>) src(%dma_wait3A_205 : memref<25x80xi32, #tpu.memory_space<hbm>>) dst(%arg8 : memref<25x80xi32, #tpu.memory_space<vmem>>)
    %dma_start3A_206 = arith.constant 0 : i32
    %dma_start3A_207 = arith.constant 0 : i32
    %dma_start3A_208 = tpu.memref_slice %arg7[%dma_start3A_206, %dma_start3A_207] : memref<25x80xi32, #tpu.memory_space<vmem>> -> memref<1x80xi32, #tpu.memory_space<vmem>>
    %dma_start3A_209 = tpu.memref_squeeze %dma_start3A_208 : memref<1x80xi32, #tpu.memory_space<vmem>> -> memref<80xi32, #tpu.memory_space<vmem>>
    %dma_start3A_210 = arith.constant 0 : i32
    %dma_start3A_211 = arith.constant 0 : i32
    %dma_start3A_212 = tpu.memref_slice %arg2[%dma_start3A_210, %dma_start3A_211] : memref<10000x128xf32, #tpu.memory_space<hbm>> -> memref<10000x128xf32, #tpu.memory_space<hbm>>
    tpu.enqueue_indirect_dma source(%dma_start3A_212 : memref<10000x128xf32, #tpu.memory_space<hbm>>) target(%arg9 : memref<80x128xf32, #tpu.memory_space<vmem>>) offsets(%dma_start3A_209 : memref<80xi32, #tpu.memory_space<vmem>>) semaphore(%arg12 : memref<!tpu.dma_semaphore, #tpu.memory_space<semaphore_mem>>)
    %scan3A_213 = arith.constant 0 : i32
    %scan3A_214 = arith.constant 0 : i32
    %scan3A_215 = arith.constant 12 : i32
    %scan3A_216 = arith.addi %scan3A_214, %scan3A_215 : i32
    %scan3A_217 = arith.constant 1 : i32
    scf.for %scan3A_289 = %scan3A_214 to %scan3A_216 step %scan3A_217  : i32 {
      %mul3A_290 = arith.constant 2 : i32
      %mul3A_291 = arith.muli %scan3A_289, %mul3A_290 : i32
      %add3A_292 = arith.constant 0 : i32
      %add3A_293 = arith.addi %mul3A_291, %add3A_292 : i32
      %add3A_294 = arith.constant 1 : i32
      %add3A_295 = arith.addi %add3A_293, %add3A_294 : i32
      %dma_start3A_296 = arith.constant 0 : i32
      %dma_start3A_297 = tpu.memref_slice %arg7[%add3A_295, %dma_start3A_296] : memref<25x80xi32, #tpu.memory_space<vmem>> -> memref<1x80xi32, #tpu.memory_space<vmem>>
      %dma_start3A_298 = tpu.memref_squeeze %dma_start3A_297 : memref<1x80xi32, #tpu.memory_space<vmem>> -> memref<80xi32, #tpu.memory_space<vmem>>
      %dma_start3A_299 = arith.constant 0 : i32
      %dma_start3A_300 = arith.constant 0 : i32
      %dma_start3A_301 = tpu.memref_slice %arg2[%dma_start3A_299, %dma_start3A_300] : memref<10000x128xf32, #tpu.memory_space<hbm>> -> memref<10000x128xf32, #tpu.memory_space<hbm>>
      tpu.enqueue_indirect_dma source(%dma_start3A_301 : memref<10000x128xf32, #tpu.memory_space<hbm>>) target(%arg10 : memref<80x128xf32, #tpu.memory_space<vmem>>) offsets(%dma_start3A_298 : memref<80xi32, #tpu.memory_space<vmem>>) semaphore(%arg13 : memref<!tpu.dma_semaphore, #tpu.memory_space<semaphore_mem>>)
      %dma_wait3A_302 = arith.constant 0 : i32
      %dma_wait3A_303 = tpu.memref_slice %arg7[%add3A_293, %dma_wait3A_302] : memref<25x80xi32, #tpu.memory_space<vmem>> -> memref<1x80xi32, #tpu.memory_space<vmem>>
      %dma_wait3A_304 = tpu.memref_squeeze %dma_wait3A_303 : memref<1x80xi32, #tpu.memory_space<vmem>> -> memref<80xi32, #tpu.memory_space<vmem>>
      %dma_wait3A_305 = arith.constant 0 : i32
      %dma_wait3A_306 = arith.constant 0 : i32
      %dma_wait3A_307 = tpu.memref_slice %arg2[%dma_wait3A_305, %dma_wait3A_306] : memref<10000x128xf32, #tpu.memory_space<hbm>> -> memref<10000x128xf32, #tpu.memory_space<hbm>>
      tpu.wait_indirect_dma semaphore(%arg12 : memref<!tpu.dma_semaphore, #tpu.memory_space<semaphore_mem>>) src(%dma_wait3A_307 : memref<10000x128xf32, #tpu.memory_space<hbm>>) dst(%arg9 : memref<80x128xf32, #tpu.memory_space<vmem>>)
      "tpu.region"() ({
        %run_scoped3A_326 = tpu.sem_alloc : memref<!tpu.dma_semaphore, #tpu.memory_space<semaphore_mem>>
        %dma_start3A_327 = arith.constant 0 : i32
        %dma_start3A_328 = tpu.memref_slice %arg8[%add3A_293, %dma_start3A_327] : memref<25x80xi32, #tpu.memory_space<vmem>> -> memref<1x80xi32, #tpu.memory_space<vmem>>
        %dma_start3A_329 = tpu.memref_squeeze %dma_start3A_328 : memref<1x80xi32, #tpu.memory_space<vmem>> -> memref<80xi32, #tpu.memory_space<vmem>>
        %dma_start3A_330 = arith.constant 0 : i32
        %dma_start3A_331 = arith.constant 0 : i32
        %dma_start3A_332 = tpu.memref_slice %arg11[%dma_start3A_330, %dma_start3A_331] : memref<10240x128xf32, #tpu.memory_space<vmem_shared>> -> memref<10240x128xf32, #tpu.memory_space<vmem_shared>>
        tpu.enqueue_indirect_dma source(%arg9 : memref<80x128xf32, #tpu.memory_space<vmem>>) target(%dma_start3A_332 : memref<10240x128xf32, #tpu.memory_space<vmem_shared>>) offsets(%dma_start3A_329 : memref<80xi32, #tpu.memory_space<vmem>>) semaphore(%run_scoped3A_326 : memref<!tpu.dma_semaphore, #tpu.memory_space<semaphore_mem>>) {add = true}
        %dma_wait3A_333 = arith.constant 0 : i32
        %dma_wait3A_334 = tpu.memref_slice %arg8[%add3A_293, %dma_wait3A_333] : memref<25x80xi32, #tpu.memory_space<vmem>> -> memref<1x80xi32, #tpu.memory_space<vmem>>
        %dma_wait3A_335 = tpu.memref_squeeze %dma_wait3A_334 : memref<1x80xi32, #tpu.memory_space<vmem>> -> memref<80xi32, #tpu.memory_space<vmem>>
        %dma_wait3A_336 = arith.constant 0 : i32
        %dma_wait3A_337 = arith.constant 0 : i32
        %dma_wait3A_338 = tpu.memref_slice %arg11[%dma_wait3A_336, %dma_wait3A_337] : memref<10240x128xf32, #tpu.memory_space<vmem_shared>> -> memref<10240x128xf32, #tpu.memory_space<vmem_shared>>
        tpu.wait_indirect_dma semaphore(%run_scoped3A_326 : memref<!tpu.dma_semaphore, #tpu.memory_space<semaphore_mem>>) src(%arg9 : memref<80x128xf32, #tpu.memory_space<vmem>>) dst(%dma_wait3A_338 : memref<10240x128xf32, #tpu.memory_space<vmem_shared>>)
        tpu.yield
      }) : () -> ()
      %mul3A_308 = arith.constant 2 : i32
      %mul3A_309 = arith.muli %scan3A_289, %mul3A_308 : i32
      %add3A_310 = arith.constant 1 : i32
      %add3A_311 = arith.addi %mul3A_309, %add3A_310 : i32
      %add3A_312 = arith.constant 1 : i32
      %add3A_313 = arith.addi %add3A_311, %add3A_312 : i32
      %dma_start3A_314 = arith.constant 0 : i32
      %dma_start3A_315 = tpu.memref_slice %arg7[%add3A_313, %dma_start3A_314] : memref<25x80xi32, #tpu.memory_space<vmem>> -> memref<1x80xi32, #tpu.memory_space<vmem>>
      %dma_start3A_316 = tpu.memref_squeeze %dma_start3A_315 : memref<1x80xi32, #tpu.memory_space<vmem>> -> memref<80xi32, #tpu.memory_space<vmem>>
      %dma_start3A_317 = arith.constant 0 : i32
      %dma_start3A_318 = arith.constant 0 : i32
      %dma_start3A_319 = tpu.memref_slice %arg2[%dma_start3A_317, %dma_start3A_318] : memref<10000x128xf32, #tpu.memory_space<hbm>> -> memref<10000x128xf32, #tpu.memory_space<hbm>>
      tpu.enqueue_indirect_dma source(%dma_start3A_319 : memref<10000x128xf32, #tpu.memory_space<hbm>>) target(%arg9 : memref<80x128xf32, #tpu.memory_space<vmem>>) offsets(%dma_start3A_316 : memref<80xi32, #tpu.memory_space<vmem>>) semaphore(%arg12 : memref<!tpu.dma_semaphore, #tpu.memory_space<semaphore_mem>>)
      %dma_wait3A_320 = arith.constant 0 : i32
      %dma_wait3A_321 = tpu.memref_slice %arg7[%add3A_311, %dma_wait3A_320] : memref<25x80xi32, #tpu.memory_space<vmem>> -> memref<1x80xi32, #tpu.memory_space<vmem>>
      %dma_wait3A_322 = tpu.memref_squeeze %dma_wait3A_321 : memref<1x80xi32, #tpu.memory_space<vmem>> -> memref<80xi32, #tpu.memory_space<vmem>>
      %dma_wait3A_323 = arith.constant 0 : i32
      %dma_wait3A_324 = arith.constant 0 : i32
      %dma_wait3A_325 = tpu.memref_slice %arg2[%dma_wait3A_323, %dma_wait3A_324] : memref<10000x128xf32, #tpu.memory_space<hbm>> -> memref<10000x128xf32, #tpu.memory_space<hbm>>
      tpu.wait_indirect_dma semaphore(%arg13 : memref<!tpu.dma_semaphore, #tpu.memory_space<semaphore_mem>>) src(%dma_wait3A_325 : memref<10000x128xf32, #tpu.memory_space<hbm>>) dst(%arg10 : memref<80x128xf32, #tpu.memory_space<vmem>>)
      "tpu.region"() ({
        %run_scoped3A_326 = tpu.sem_alloc : memref<!tpu.dma_semaphore, #tpu.memory_space<semaphore_mem>>
        %dma_start3A_327 = arith.constant 0 : i32
        %dma_start3A_328 = tpu.memref_slice %arg8[%add3A_311, %dma_start3A_327] : memref<25x80xi32, #tpu.memory_space<vmem>> -> memref<1x80xi32, #tpu.memory_space<vmem>>
        %dma_start3A_329 = tpu.memref_squeeze %dma_start3A_328 : memref<1x80xi32, #tpu.memory_space<vmem>> -> memref<80xi32, #tpu.memory_space<vmem>>
        %dma_start3A_330 = arith.constant 0 : i32
        %dma_start3A_331 = arith.constant 0 : i32
        %dma_start3A_332 = tpu.memref_slice %arg11[%dma_start3A_330, %dma_start3A_331] : memref<10240x128xf32, #tpu.memory_space<vmem_shared>> -> memref<10240x128xf32, #tpu.memory_space<vmem_shared>>
        tpu.enqueue_indirect_dma source(%arg10 : memref<80x128xf32, #tpu.memory_space<vmem>>) target(%dma_start3A_332 : memref<10240x128xf32, #tpu.memory_space<vmem_shared>>) offsets(%dma_start3A_329 : memref<80xi32, #tpu.memory_space<vmem>>) semaphore(%run_scoped3A_326 : memref<!tpu.dma_semaphore, #tpu.memory_space<semaphore_mem>>) {add = true}
        %dma_wait3A_333 = arith.constant 0 : i32
        %dma_wait3A_334 = tpu.memref_slice %arg8[%add3A_311, %dma_wait3A_333] : memref<25x80xi32, #tpu.memory_space<vmem>> -> memref<1x80xi32, #tpu.memory_space<vmem>>
        %dma_wait3A_335 = tpu.memref_squeeze %dma_wait3A_334 : memref<1x80xi32, #tpu.memory_space<vmem>> -> memref<80xi32, #tpu.memory_space<vmem>>
        %dma_wait3A_336 = arith.constant 0 : i32
        %dma_wait3A_337 = arith.constant 0 : i32
        %dma_wait3A_338 = tpu.memref_slice %arg11[%dma_wait3A_336, %dma_wait3A_337] : memref<10240x128xf32, #tpu.memory_space<vmem_shared>> -> memref<10240x128xf32, #tpu.memory_space<vmem_shared>>
        tpu.wait_indirect_dma semaphore(%run_scoped3A_326 : memref<!tpu.dma_semaphore, #tpu.memory_space<semaphore_mem>>) src(%arg10 : memref<80x128xf32, #tpu.memory_space<vmem>>) dst(%dma_wait3A_338 : memref<10240x128xf32, #tpu.memory_space<vmem_shared>>)
        tpu.yield
      }) : () -> ()
    }
    %scan3A_218 = arith.constant 12 : i32
    %dma_wait3A_219 = arith.constant 24 : i32
    %dma_wait3A_220 = arith.constant 0 : i32
    %dma_wait3A_221 = tpu.memref_slice %arg7[%dma_wait3A_219, %dma_wait3A_220] : memref<25x80xi32, #tpu.memory_space<vmem>> -> memref<1x80xi32, #tpu.memory_space<vmem>>
    %dma_wait3A_222 = tpu.memref_squeeze %dma_wait3A_221 : memref<1x80xi32, #tpu.memory_space<vmem>> -> memref<80xi32, #tpu.memory_space<vmem>>
    %dma_wait3A_223 = arith.constant 0 : i32
    %dma_wait3A_224 = arith.constant 0 : i32
    %dma_wait3A_225 = tpu.memref_slice %arg2[%dma_wait3A_223, %dma_wait3A_224] : memref<10000x128xf32, #tpu.memory_space<hbm>> -> memref<10000x128xf32, #tpu.memory_space<hbm>>
    tpu.wait_indirect_dma semaphore(%arg12 : memref<!tpu.dma_semaphore, #tpu.memory_space<semaphore_mem>>) src(%dma_wait3A_225 : memref<10000x128xf32, #tpu.memory_space<hbm>>) dst(%arg9 : memref<80x128xf32, #tpu.memory_space<vmem>>)
    %run_scoped3A_226 = arith.constant 24 : i32
    "tpu.region"() ({
      %run_scoped3A_289 = tpu.sem_alloc : memref<!tpu.dma_semaphore, #tpu.memory_space<semaphore_mem>>
      %dma_start3A_290 = arith.constant 0 : i32
      %dma_start3A_291 = tpu.memref_slice %arg8[%run_scoped3A_226, %dma_start3A_290] : memref<25x80xi32, #tpu.memory_space<vmem>> -> memref<1x80xi32, #tpu.memory_space<vmem>>
      %dma_start3A_292 = tpu.memref_squeeze %dma_start3A_291 : memref<1x80xi32, #tpu.memory_space<vmem>> -> memref<80xi32, #tpu.memory_space<vmem>>
      %dma_start3A_293 = arith.constant 0 : i32
      %dma_start3A_294 = arith.constant 0 : i32
      %dma_start3A_295 = tpu.memref_slice %arg11[%dma_start3A_293, %dma_start3A_294] : memref<10240x128xf32, #tpu.memory_space<vmem_shared>> -> memref<10240x128xf32, #tpu.memory_space<vmem_shared>>
      tpu.enqueue_indirect_dma source(%arg9 : memref<80x128xf32, #tpu.memory_space<vmem>>) target(%dma_start3A_295 : memref<10240x128xf32, #tpu.memory_space<vmem_shared>>) offsets(%dma_start3A_292 : memref<80xi32, #tpu.memory_space<vmem>>) semaphore(%run_scoped3A_289 : memref<!tpu.dma_semaphore, #tpu.memory_space<semaphore_mem>>) {add = true}
      %dma_wait3A_296 = arith.constant 0 : i32
      %dma_wait3A_297 = tpu.memref_slice %arg8[%run_scoped3A_226, %dma_wait3A_296] : memref<25x80xi32, #tpu.memory_space<vmem>> -> memref<1x80xi32, #tpu.memory_space<vmem>>
      %dma_wait3A_298 = tpu.memref_squeeze %dma_wait3A_297 : memref<1x80xi32, #tpu.memory_space<vmem>> -> memref<80xi32, #tpu.memory_space<vmem>>
      %dma_wait3A_299 = arith.constant 0 : i32
      %dma_wait3A_300 = arith.constant 0 : i32
      %dma_wait3A_301 = tpu.memref_slice %arg11[%dma_wait3A_299, %dma_wait3A_300] : memref<10240x128xf32, #tpu.memory_space<vmem_shared>> -> memref<10240x128xf32, #tpu.memory_space<vmem_shared>>
      tpu.wait_indirect_dma semaphore(%run_scoped3A_289 : memref<!tpu.dma_semaphore, #tpu.memory_space<semaphore_mem>>) src(%arg9 : memref<80x128xf32, #tpu.memory_space<vmem>>) dst(%dma_wait3A_301 : memref<10240x128xf32, #tpu.memory_space<vmem_shared>>)
      tpu.yield
    }) : () -> ()
    %dma_start3A_227 = arith.constant 4 : i32
    %dma_start3A_228 = arith.constant 0 : i32
    %dma_start3A_229 = arith.constant 0 : i32
    %dma_start3A_230 = tpu.memref_slice %arg3[%add3A, %dma_start3A_227, %dma_start3A_228, %dma_start3A_229] : memref<32x5x25x80xi32, #tpu.memory_space<hbm>> -> memref<1x1x25x80xi32, #tpu.memory_space<hbm>>
    %dma_start3A_231 = tpu.memref_squeeze %dma_start3A_230 : memref<1x1x25x80xi32, #tpu.memory_space<hbm>> -> memref<25x80xi32, #tpu.memory_space<hbm>>
    %dma_start3A_232 = arith.constant 0 : i32
    %dma_start3A_233 = arith.constant 0 : i32
    %dma_start3A_234 = tpu.memref_slice %arg3[%add3A, %dma_start3A_227, %dma_start3A_232, %dma_start3A_233] : memref<32x5x25x80xi32, #tpu.memory_space<hbm>> -> memref<1x1x25x80xi32, #tpu.memory_space<hbm>>
    %dma_start3A_235 = tpu.memref_squeeze %dma_start3A_234 : memref<1x1x25x80xi32, #tpu.memory_space<hbm>> -> memref<25x80xi32, #tpu.memory_space<hbm>>
    tpu.enqueue_dma source(%dma_start3A_235 : memref<25x80xi32, #tpu.memory_space<hbm>>) target(%arg7 : memref<25x80xi32, #tpu.memory_space<vmem>>) target_semaphore(%arg14 : memref<!tpu.dma_semaphore, #tpu.memory_space<semaphore_mem>>)
    %dma_start3A_236 = arith.constant 4 : i32
    %dma_start3A_237 = arith.constant 0 : i32
    %dma_start3A_238 = arith.constant 0 : i32
    %dma_start3A_239 = tpu.memref_slice %arg4[%add3A, %dma_start3A_236, %dma_start3A_237, %dma_start3A_238] : memref<32x5x25x80xi32, #tpu.memory_space<hbm>> -> memref<1x1x25x80xi32, #tpu.memory_space<hbm>>
    %dma_start3A_240 = tpu.memref_squeeze %dma_start3A_239 : memref<1x1x25x80xi32, #tpu.memory_space<hbm>> -> memref<25x80xi32, #tpu.memory_space<hbm>>
    %dma_start3A_241 = arith.constant 0 : i32
    %dma_start3A_242 = arith.constant 0 : i32
    %dma_start3A_243 = tpu.memref_slice %arg4[%add3A, %dma_start3A_236, %dma_start3A_241, %dma_start3A_242] : memref<32x5x25x80xi32, #tpu.memory_space<hbm>> -> memref<1x1x25x80xi32, #tpu.memory_space<hbm>>
    %dma_start3A_244 = tpu.memref_squeeze %dma_start3A_243 : memref<1x1x25x80xi32, #tpu.memory_space<hbm>> -> memref<25x80xi32, #tpu.memory_space<hbm>>
    tpu.enqueue_dma source(%dma_start3A_244 : memref<25x80xi32, #tpu.memory_space<hbm>>) target(%arg8 : memref<25x80xi32, #tpu.memory_space<vmem>>) target_semaphore(%arg14 : memref<!tpu.dma_semaphore, #tpu.memory_space<semaphore_mem>>)
    %dma_wait3A_245 = arith.constant 4 : i32
    %dma_wait3A_246 = arith.constant 0 : i32
    %dma_wait3A_247 = arith.constant 0 : i32
    %dma_wait3A_248 = tpu.memref_slice %arg3[%add3A, %dma_wait3A_245, %dma_wait3A_246, %dma_wait3A_247] : memref<32x5x25x80xi32, #tpu.memory_space<hbm>> -> memref<1x1x25x80xi32, #tpu.memory_space<hbm>>
    %dma_wait3A_249 = tpu.memref_squeeze %dma_wait3A_248 : memref<1x1x25x80xi32, #tpu.memory_space<hbm>> -> memref<25x80xi32, #tpu.memory_space<hbm>>
    %dma_wait3A_250 = arith.constant 0 : i32
    %dma_wait3A_251 = arith.constant 0 : i32
    %dma_wait3A_252 = tpu.memref_slice %arg3[%add3A, %dma_wait3A_245, %dma_wait3A_250, %dma_wait3A_251] : memref<32x5x25x80xi32, #tpu.memory_space<hbm>> -> memref<1x1x25x80xi32, #tpu.memory_space<hbm>>
    %dma_wait3A_253 = tpu.memref_squeeze %dma_wait3A_252 : memref<1x1x25x80xi32, #tpu.memory_space<hbm>> -> memref<25x80xi32, #tpu.memory_space<hbm>>
    tpu.wait_dma2 semaphore(%arg14 : memref<!tpu.dma_semaphore, #tpu.memory_space<semaphore_mem>>) src(%dma_wait3A_253 : memref<25x80xi32, #tpu.memory_space<hbm>>) dst(%arg7 : memref<25x80xi32, #tpu.memory_space<vmem>>)
    %dma_wait3A_254 = arith.constant 4 : i32
    %dma_wait3A_255 = arith.constant 0 : i32
    %dma_wait3A_256 = arith.constant 0 : i32
    %dma_wait3A_257 = tpu.memref_slice %arg4[%add3A, %dma_wait3A_254, %dma_wait3A_255, %dma_wait3A_256] : memref<32x5x25x80xi32, #tpu.memory_space<hbm>> -> memref<1x1x25x80xi32, #tpu.memory_space<hbm>>
    %dma_wait3A_258 = tpu.memref_squeeze %dma_wait3A_257 : memref<1x1x25x80xi32, #tpu.memory_space<hbm>> -> memref<25x80xi32, #tpu.memory_space<hbm>>
    %dma_wait3A_259 = arith.constant 0 : i32
    %dma_wait3A_260 = arith.constant 0 : i32
    %dma_wait3A_261 = tpu.memref_slice %arg4[%add3A, %dma_wait3A_254, %dma_wait3A_259, %dma_wait3A_260] : memref<32x5x25x80xi32, #tpu.memory_space<hbm>> -> memref<1x1x25x80xi32, #tpu.memory_space<hbm>>
    %dma_wait3A_262 = tpu.memref_squeeze %dma_wait3A_261 : memref<1x1x25x80xi32, #tpu.memory_space<hbm>> -> memref<25x80xi32, #tpu.memory_space<hbm>>
    tpu.wait_dma2 semaphore(%arg14 : memref<!tpu.dma_semaphore, #tpu.memory_space<semaphore_mem>>) src(%dma_wait3A_262 : memref<25x80xi32, #tpu.memory_space<hbm>>) dst(%arg8 : memref<25x80xi32, #tpu.memory_space<vmem>>)
    %dma_start3A_263 = arith.constant 0 : i32
    %dma_start3A_264 = arith.constant 0 : i32
    %dma_start3A_265 = tpu.memref_slice %arg7[%dma_start3A_263, %dma_start3A_264] : memref<25x80xi32, #tpu.memory_space<vmem>> -> memref<1x80xi32, #tpu.memory_space<vmem>>
    %dma_start3A_266 = tpu.memref_squeeze %dma_start3A_265 : memref<1x80xi32, #tpu.memory_space<vmem>> -> memref<80xi32, #tpu.memory_space<vmem>>
    %dma_start3A_267 = arith.constant 0 : i32
    %dma_start3A_268 = arith.constant 0 : i32
    %dma_start3A_269 = tpu.memref_slice %arg2[%dma_start3A_267, %dma_start3A_268] : memref<10000x128xf32, #tpu.memory_space<hbm>> -> memref<10000x128xf32, #tpu.memory_space<hbm>>
    tpu.enqueue_indirect_dma source(%dma_start3A_269 : memref<10000x128xf32, #tpu.memory_space<hbm>>) target(%arg9 : memref<80x128xf32, #tpu.memory_space<vmem>>) offsets(%dma_start3A_266 : memref<80xi32, #tpu.memory_space<vmem>>) semaphore(%arg12 : memref<!tpu.dma_semaphore, #tpu.memory_space<semaphore_mem>>)
    %scan3A_270 = arith.constant 0 : i32
    %scan3A_271 = arith.constant 0 : i32
    %scan3A_272 = arith.constant 12 : i32
    %scan3A_273 = arith.addi %scan3A_271, %scan3A_272 : i32
    %scan3A_274 = arith.constant 1 : i32
    scf.for %scan3A_289 = %scan3A_271 to %scan3A_273 step %scan3A_274  : i32 {
      %mul3A_290 = arith.constant 2 : i32
      %mul3A_291 = arith.muli %scan3A_289, %mul3A_290 : i32
      %add3A_292 = arith.constant 0 : i32
      %add3A_293 = arith.addi %mul3A_291, %add3A_292 : i32
      %add3A_294 = arith.constant 1 : i32
      %add3A_295 = arith.addi %add3A_293, %add3A_294 : i32
      %dma_start3A_296 = arith.constant 0 : i32
      %dma_start3A_297 = tpu.memref_slice %arg7[%add3A_295, %dma_start3A_296] : memref<25x80xi32, #tpu.memory_space<vmem>> -> memref<1x80xi32, #tpu.memory_space<vmem>>
      %dma_start3A_298 = tpu.memref_squeeze %dma_start3A_297 : memref<1x80xi32, #tpu.memory_space<vmem>> -> memref<80xi32, #tpu.memory_space<vmem>>
      %dma_start3A_299 = arith.constant 0 : i32
      %dma_start3A_300 = arith.constant 0 : i32
      %dma_start3A_301 = tpu.memref_slice %arg2[%dma_start3A_299, %dma_start3A_300] : memref<10000x128xf32, #tpu.memory_space<hbm>> -> memref<10000x128xf32, #tpu.memory_space<hbm>>
      tpu.enqueue_indirect_dma source(%dma_start3A_301 : memref<10000x128xf32, #tpu.memory_space<hbm>>) target(%arg10 : memref<80x128xf32, #tpu.memory_space<vmem>>) offsets(%dma_start3A_298 : memref<80xi32, #tpu.memory_space<vmem>>) semaphore(%arg13 : memref<!tpu.dma_semaphore, #tpu.memory_space<semaphore_mem>>)
      %dma_wait3A_302 = arith.constant 0 : i32
      %dma_wait3A_303 = tpu.memref_slice %arg7[%add3A_293, %dma_wait3A_302] : memref<25x80xi32, #tpu.memory_space<vmem>> -> memref<1x80xi32, #tpu.memory_space<vmem>>
      %dma_wait3A_304 = tpu.memref_squeeze %dma_wait3A_303 : memref<1x80xi32, #tpu.memory_space<vmem>> -> memref<80xi32, #tpu.memory_space<vmem>>
      %dma_wait3A_305 = arith.constant 0 : i32
      %dma_wait3A_306 = arith.constant 0 : i32
      %dma_wait3A_307 = tpu.memref_slice %arg2[%dma_wait3A_305, %dma_wait3A_306] : memref<10000x128xf32, #tpu.memory_space<hbm>> -> memref<10000x128xf32, #tpu.memory_space<hbm>>
      tpu.wait_indirect_dma semaphore(%arg12 : memref<!tpu.dma_semaphore, #tpu.memory_space<semaphore_mem>>) src(%dma_wait3A_307 : memref<10000x128xf32, #tpu.memory_space<hbm>>) dst(%arg9 : memref<80x128xf32, #tpu.memory_space<vmem>>)
      "tpu.region"() ({
        %run_scoped3A_326 = tpu.sem_alloc : memref<!tpu.dma_semaphore, #tpu.memory_space<semaphore_mem>>
        %dma_start3A_327 = arith.constant 0 : i32
        %dma_start3A_328 = tpu.memref_slice %arg8[%add3A_293, %dma_start3A_327] : memref<25x80xi32, #tpu.memory_space<vmem>> -> memref<1x80xi32, #tpu.memory_space<vmem>>
        %dma_start3A_329 = tpu.memref_squeeze %dma_start3A_328 : memref<1x80xi32, #tpu.memory_space<vmem>> -> memref<80xi32, #tpu.memory_space<vmem>>
        %dma_start3A_330 = arith.constant 0 : i32
        %dma_start3A_331 = arith.constant 0 : i32
        %dma_start3A_332 = tpu.memref_slice %arg11[%dma_start3A_330, %dma_start3A_331] : memref<10240x128xf32, #tpu.memory_space<vmem_shared>> -> memref<10240x128xf32, #tpu.memory_space<vmem_shared>>
        tpu.enqueue_indirect_dma source(%arg9 : memref<80x128xf32, #tpu.memory_space<vmem>>) target(%dma_start3A_332 : memref<10240x128xf32, #tpu.memory_space<vmem_shared>>) offsets(%dma_start3A_329 : memref<80xi32, #tpu.memory_space<vmem>>) semaphore(%run_scoped3A_326 : memref<!tpu.dma_semaphore, #tpu.memory_space<semaphore_mem>>) {add = true}
        %dma_wait3A_333 = arith.constant 0 : i32
        %dma_wait3A_334 = tpu.memref_slice %arg8[%add3A_293, %dma_wait3A_333] : memref<25x80xi32, #tpu.memory_space<vmem>> -> memref<1x80xi32, #tpu.memory_space<vmem>>
        %dma_wait3A_335 = tpu.memref_squeeze %dma_wait3A_334 : memref<1x80xi32, #tpu.memory_space<vmem>> -> memref<80xi32, #tpu.memory_space<vmem>>
        %dma_wait3A_336 = arith.constant 0 : i32
        %dma_wait3A_337 = arith.constant 0 : i32
        %dma_wait3A_338 = tpu.memref_slice %arg11[%dma_wait3A_336, %dma_wait3A_337] : memref<10240x128xf32, #tpu.memory_space<vmem_shared>> -> memref<10240x128xf32, #tpu.memory_space<vmem_shared>>
        tpu.wait_indirect_dma semaphore(%run_scoped3A_326 : memref<!tpu.dma_semaphore, #tpu.memory_space<semaphore_mem>>) src(%arg9 : memref<80x128xf32, #tpu.memory_space<vmem>>) dst(%dma_wait3A_338 : memref<10240x128xf32, #tpu.memory_space<vmem_shared>>)
        tpu.yield
      }) : () -> ()
      %mul3A_308 = arith.constant 2 : i32
      %mul3A_309 = arith.muli %scan3A_289, %mul3A_308 : i32
      %add3A_310 = arith.constant 1 : i32
      %add3A_311 = arith.addi %mul3A_309, %add3A_310 : i32
      %add3A_312 = arith.constant 1 : i32
      %add3A_313 = arith.addi %add3A_311, %add3A_312 : i32
      %dma_start3A_314 = arith.constant 0 : i32
      %dma_start3A_315 = tpu.memref_slice %arg7[%add3A_313, %dma_start3A_314] : memref<25x80xi32, #tpu.memory_space<vmem>> -> memref<1x80xi32, #tpu.memory_space<vmem>>
      %dma_start3A_316 = tpu.memref_squeeze %dma_start3A_315 : memref<1x80xi32, #tpu.memory_space<vmem>> -> memref<80xi32, #tpu.memory_space<vmem>>
      %dma_start3A_317 = arith.constant 0 : i32
      %dma_start3A_318 = arith.constant 0 : i32
      %dma_start3A_319 = tpu.memref_slice %arg2[%dma_start3A_317, %dma_start3A_318] : memref<10000x128xf32, #tpu.memory_space<hbm>> -> memref<10000x128xf32, #tpu.memory_space<hbm>>
      tpu.enqueue_indirect_dma source(%dma_start3A_319 : memref<10000x128xf32, #tpu.memory_space<hbm>>) target(%arg9 : memref<80x128xf32, #tpu.memory_space<vmem>>) offsets(%dma_start3A_316 : memref<80xi32, #tpu.memory_space<vmem>>) semaphore(%arg12 : memref<!tpu.dma_semaphore, #tpu.memory_space<semaphore_mem>>)
      %dma_wait3A_320 = arith.constant 0 : i32
      %dma_wait3A_321 = tpu.memref_slice %arg7[%add3A_311, %dma_wait3A_320] : memref<25x80xi32, #tpu.memory_space<vmem>> -> memref<1x80xi32, #tpu.memory_space<vmem>>
      %dma_wait3A_322 = tpu.memref_squeeze %dma_wait3A_321 : memref<1x80xi32, #tpu.memory_space<vmem>> -> memref<80xi32, #tpu.memory_space<vmem>>
      %dma_wait3A_323 = arith.constant 0 : i32
      %dma_wait3A_324 = arith.constant 0 : i32
      %dma_wait3A_325 = tpu.memref_slice %arg2[%dma_wait3A_323, %dma_wait3A_324] : memref<10000x128xf32, #tpu.memory_space<hbm>> -> memref<10000x128xf32, #tpu.memory_space<hbm>>
      tpu.wait_indirect_dma semaphore(%arg13 : memref<!tpu.dma_semaphore, #tpu.memory_space<semaphore_mem>>) src(%dma_wait3A_325 : memref<10000x128xf32, #tpu.memory_space<hbm>>) dst(%arg10 : memref<80x128xf32, #tpu.memory_space<vmem>>)
      "tpu.region"() ({
        %run_scoped3A_326 = tpu.sem_alloc : memref<!tpu.dma_semaphore, #tpu.memory_space<semaphore_mem>>
        %dma_start3A_327 = arith.constant 0 : i32
        %dma_start3A_328 = tpu.memref_slice %arg8[%add3A_311, %dma_start3A_327] : memref<25x80xi32, #tpu.memory_space<vmem>> -> memref<1x80xi32, #tpu.memory_space<vmem>>
        %dma_start3A_329 = tpu.memref_squeeze %dma_start3A_328 : memref<1x80xi32, #tpu.memory_space<vmem>> -> memref<80xi32, #tpu.memory_space<vmem>>
        %dma_start3A_330 = arith.constant 0 : i32
        %dma_start3A_331 = arith.constant 0 : i32
        %dma_start3A_332 = tpu.memref_slice %arg11[%dma_start3A_330, %dma_start3A_331] : memref<10240x128xf32, #tpu.memory_space<vmem_shared>> -> memref<10240x128xf32, #tpu.memory_space<vmem_shared>>
        tpu.enqueue_indirect_dma source(%arg10 : memref<80x128xf32, #tpu.memory_space<vmem>>) target(%dma_start3A_332 : memref<10240x128xf32, #tpu.memory_space<vmem_shared>>) offsets(%dma_start3A_329 : memref<80xi32, #tpu.memory_space<vmem>>) semaphore(%run_scoped3A_326 : memref<!tpu.dma_semaphore, #tpu.memory_space<semaphore_mem>>) {add = true}
        %dma_wait3A_333 = arith.constant 0 : i32
        %dma_wait3A_334 = tpu.memref_slice %arg8[%add3A_311, %dma_wait3A_333] : memref<25x80xi32, #tpu.memory_space<vmem>> -> memref<1x80xi32, #tpu.memory_space<vmem>>
        %dma_wait3A_335 = tpu.memref_squeeze %dma_wait3A_334 : memref<1x80xi32, #tpu.memory_space<vmem>> -> memref<80xi32, #tpu.memory_space<vmem>>
        %dma_wait3A_336 = arith.constant 0 : i32
        %dma_wait3A_337 = arith.constant 0 : i32
        %dma_wait3A_338 = tpu.memref_slice %arg11[%dma_wait3A_336, %dma_wait3A_337] : memref<10240x128xf32, #tpu.memory_space<vmem_shared>> -> memref<10240x128xf32, #tpu.memory_space<vmem_shared>>
        tpu.wait_indirect_dma semaphore(%run_scoped3A_326 : memref<!tpu.dma_semaphore, #tpu.memory_space<semaphore_mem>>) src(%arg10 : memref<80x128xf32, #tpu.memory_space<vmem>>) dst(%dma_wait3A_338 : memref<10240x128xf32, #tpu.memory_space<vmem_shared>>)
        tpu.yield
      }) : () -> ()
    }
    %scan3A_275 = arith.constant 12 : i32
    %dma_wait3A_276 = arith.constant 24 : i32
    %dma_wait3A_277 = arith.constant 0 : i32
    %dma_wait3A_278 = tpu.memref_slice %arg7[%dma_wait3A_276, %dma_wait3A_277] : memref<25x80xi32, #tpu.memory_space<vmem>> -> memref<1x80xi32, #tpu.memory_space<vmem>>
    %dma_wait3A_279 = tpu.memref_squeeze %dma_wait3A_278 : memref<1x80xi32, #tpu.memory_space<vmem>> -> memref<80xi32, #tpu.memory_space<vmem>>
    %dma_wait3A_280 = arith.constant 0 : i32
    %dma_wait3A_281 = arith.constant 0 : i32
    %dma_wait3A_282 = tpu.memref_slice %arg2[%dma_wait3A_280, %dma_wait3A_281] : memref<10000x128xf32, #tpu.memory_space<hbm>> -> memref<10000x128xf32, #tpu.memory_space<hbm>>
    tpu.wait_indirect_dma semaphore(%arg12 : memref<!tpu.dma_semaphore, #tpu.memory_space<semaphore_mem>>) src(%dma_wait3A_282 : memref<10000x128xf32, #tpu.memory_space<hbm>>) dst(%arg9 : memref<80x128xf32, #tpu.memory_space<vmem>>)
    %run_scoped3A_283 = arith.constant 24 : i32
    "tpu.region"() ({
      %run_scoped3A_289 = tpu.sem_alloc : memref<!tpu.dma_semaphore, #tpu.memory_space<semaphore_mem>>
      %dma_start3A_290 = arith.constant 0 : i32
      %dma_start3A_291 = tpu.memref_slice %arg8[%run_scoped3A_283, %dma_start3A_290] : memref<25x80xi32, #tpu.memory_space<vmem>> -> memref<1x80xi32, #tpu.memory_space<vmem>>
      %dma_start3A_292 = tpu.memref_squeeze %dma_start3A_291 : memref<1x80xi32, #tpu.memory_space<vmem>> -> memref<80xi32, #tpu.memory_space<vmem>>
      %dma_start3A_293 = arith.constant 0 : i32
      %dma_start3A_294 = arith.constant 0 : i32
      %dma_start3A_295 = tpu.memref_slice %arg11[%dma_start3A_293, %dma_start3A_294] : memref<10240x128xf32, #tpu.memory_space<vmem_shared>> -> memref<10240x128xf32, #tpu.memory_space<vmem_shared>>
      tpu.enqueue_indirect_dma source(%arg9 : memref<80x128xf32, #tpu.memory_space<vmem>>) target(%dma_start3A_295 : memref<10240x128xf32, #tpu.memory_space<vmem_shared>>) offsets(%dma_start3A_292 : memref<80xi32, #tpu.memory_space<vmem>>) semaphore(%run_scoped3A_289 : memref<!tpu.dma_semaphore, #tpu.memory_space<semaphore_mem>>) {add = true}
      %dma_wait3A_296 = arith.constant 0 : i32
      %dma_wait3A_297 = tpu.memref_slice %arg8[%run_scoped3A_283, %dma_wait3A_296] : memref<25x80xi32, #tpu.memory_space<vmem>> -> memref<1x80xi32, #tpu.memory_space<vmem>>
      %dma_wait3A_298 = tpu.memref_squeeze %dma_wait3A_297 : memref<1x80xi32, #tpu.memory_space<vmem>> -> memref<80xi32, #tpu.memory_space<vmem>>
      %dma_wait3A_299 = arith.constant 0 : i32
      %dma_wait3A_300 = arith.constant 0 : i32
      %dma_wait3A_301 = tpu.memref_slice %arg11[%dma_wait3A_299, %dma_wait3A_300] : memref<10240x128xf32, #tpu.memory_space<vmem_shared>> -> memref<10240x128xf32, #tpu.memory_space<vmem_shared>>
      tpu.wait_indirect_dma semaphore(%run_scoped3A_289 : memref<!tpu.dma_semaphore, #tpu.memory_space<semaphore_mem>>) src(%arg9 : memref<80x128xf32, #tpu.memory_space<vmem>>) dst(%dma_wait3A_301 : memref<10240x128xf32, #tpu.memory_space<vmem_shared>>)
      tpu.yield
    }) : () -> ()
    %barrier3A_284 = arith.constant 0 : index
    tpu.barrier barrier_id(%barrier3A_284)
    %mul3A_285 = arith.constant 640 : i32
    %mul3A_286 = arith.muli %arg1, %mul3A_285 : i32
    %mul3A_287 = arith.constant 640 : i32
    %mul3A_288 = arith.muli %arg1, %mul3A_287 : i32
    "tpu.region"() ({
      %run_scoped3A_289 = tpu.sem_alloc : memref<!tpu.dma_semaphore, #tpu.memory_space<semaphore_mem>>
      %dma_start3A_290 = arith.constant 0 : i32
      %dma_start3A_291 = tpu.memref_slice %arg6[%arg0, %mul3A_288, %dma_start3A_290] : memref<2x10240x128xf32, #tpu.memory_space<hbm>> -> memref<1x640x128xf32, #tpu.memory_space<hbm>>
      %dma_start3A_292 = tpu.memref_squeeze %dma_start3A_291 : memref<1x640x128xf32, #tpu.memory_space<hbm>> -> memref<640x128xf32, #tpu.memory_space<hbm>>
      %dma_start3A_293 = arith.constant 0 : i32
      %dma_start3A_294 = tpu.memref_slice %arg11[%mul3A_286, %dma_start3A_293] : memref<10240x128xf32, #tpu.memory_space<vmem_shared>> -> memref<640x128xf32, #tpu.memory_space<vmem_shared>>
      tpu.enqueue_dma source(%dma_start3A_294 : memref<640x128xf32, #tpu.memory_space<vmem_shared>>) target(%dma_start3A_292 : memref<640x128xf32, #tpu.memory_space<hbm>>) target_semaphore(%run_scoped3A_289 : memref<!tpu.dma_semaphore, #tpu.memory_space<semaphore_mem>>)
      %dma_wait3A_295 = arith.constant 0 : i32
      %dma_wait3A_296 = tpu.memref_slice %arg6[%arg0, %mul3A_288, %dma_wait3A_295] : memref<2x10240x128xf32, #tpu.memory_space<hbm>> -> memref<1x640x128xf32, #tpu.memory_space<hbm>>
      %dma_wait3A_297 = tpu.memref_squeeze %dma_wait3A_296 : memref<1x640x128xf32, #tpu.memory_space<hbm>> -> memref<640x128xf32, #tpu.memory_space<hbm>>
      %dma_wait3A_298 = arith.constant 0 : i32
      %dma_wait3A_299 = tpu.memref_slice %arg11[%mul3A_286, %dma_wait3A_298] : memref<10240x128xf32, #tpu.memory_space<vmem_shared>> -> memref<640x128xf32, #tpu.memory_space<vmem_shared>>
      tpu.wait_dma2 semaphore(%run_scoped3A_289 : memref<!tpu.dma_semaphore, #tpu.memory_space<semaphore_mem>>) src(%dma_wait3A_299 : memref<640x128xf32, #tpu.memory_space<vmem_shared>>) dst(%dma_wait3A_297 : memref<640x128xf32, #tpu.memory_space<hbm>>)
      tpu.yield
    }) : () -> ()
    return
  }
}

#map = affine_map<(d0, d1) -> (0, 0, 0, 0)>
#map1 = affine_map<(d0, d1) -> (0, 0)>
#map2 = affine_map<(d0, d1) -> (0, 0, 0)>
module attributes {stable_mosaic.version = 14 : i64} {
  func.func @_sc_deg_body(%arg0: i32, %arg1: i32, %arg2: memref<32x5x25x80xi32, #tpu.memory_space<hbm>>, %arg3: memref<640x128xf32, #tpu.memory_space<hbm>>, %arg4: memref<80x128xf32, #tpu.memory_space<hbm>>, %arg5: memref<2x10240x128xf32, #tpu.memory_space<hbm>>, %arg6: memref<25x80xi32, #tpu.memory_space<vmem>>, %arg7: memref<80x128xf32, #tpu.memory_space<vmem>>, %arg8: memref<10240x128xf32, #tpu.memory_space<vmem_shared>>, %arg9: memref<!tpu.dma_semaphore, #tpu.memory_space<semaphore_mem>>) attributes {dimension_semantics = [#tpu.dimension_semantics<core_parallel>, #tpu.dimension_semantics<subcore_parallel>], iteration_bounds = array<i64: 2, 16>, scalar_prefetch = 0 : i64, scratch_operands = 4 : i64, tpu.core_type = #tpu.core_type<sc_vector_subcore>, window_params = [{transform_indices = #map}, {transform_indices = #map1}, {transform_indices = #map1}, {transform_indices = #map2}]} {
    %mul3A = arith.constant 2 : i32
    %mul3A_0 = arith.muli %arg1, %mul3A : i32
    %add3A = arith.addi %mul3A_0, %arg0 : i32
    "tpu.region"() ({
      %run_scoped3A = tpu.sem_alloc : memref<!tpu.dma_semaphore, #tpu.memory_space<semaphore_mem>>
      tpu.enqueue_dma source(%arg4 : memref<80x128xf32, #tpu.memory_space<hbm>>) target(%arg7 : memref<80x128xf32, #tpu.memory_space<vmem>>) target_semaphore(%run_scoped3A : memref<!tpu.dma_semaphore, #tpu.memory_space<semaphore_mem>>)
      tpu.wait_dma2 semaphore(%run_scoped3A : memref<!tpu.dma_semaphore, #tpu.memory_space<semaphore_mem>>) src(%arg4 : memref<80x128xf32, #tpu.memory_space<hbm>>) dst(%arg7 : memref<80x128xf32, #tpu.memory_space<vmem>>)
      tpu.yield
    }) : () -> ()
    %mul3A_1 = arith.constant 640 : i32
    %mul3A_2 = arith.muli %arg1, %mul3A_1 : i32
    "tpu.region"() ({
      %run_scoped3A = tpu.sem_alloc : memref<!tpu.dma_semaphore, #tpu.memory_space<semaphore_mem>>
      %dma_start3A_125 = arith.constant 0 : i32
      %dma_start3A_126 = tpu.memref_slice %arg8[%mul3A_2, %dma_start3A_125] : memref<10240x128xf32, #tpu.memory_space<vmem_shared>> -> memref<640x128xf32, #tpu.memory_space<vmem_shared>>
      tpu.enqueue_dma source(%arg3 : memref<640x128xf32, #tpu.memory_space<hbm>>) target(%dma_start3A_126 : memref<640x128xf32, #tpu.memory_space<vmem_shared>>) target_semaphore(%run_scoped3A : memref<!tpu.dma_semaphore, #tpu.memory_space<semaphore_mem>>)
      %dma_wait3A_127 = arith.constant 0 : i32
      %dma_wait3A_128 = tpu.memref_slice %arg8[%mul3A_2, %dma_wait3A_127] : memref<10240x128xf32, #tpu.memory_space<vmem_shared>> -> memref<640x128xf32, #tpu.memory_space<vmem_shared>>
      tpu.wait_dma2 semaphore(%run_scoped3A : memref<!tpu.dma_semaphore, #tpu.memory_space<semaphore_mem>>) src(%arg3 : memref<640x128xf32, #tpu.memory_space<hbm>>) dst(%dma_wait3A_128 : memref<640x128xf32, #tpu.memory_space<vmem_shared>>)
      tpu.yield
    }) : () -> ()
    %barrier3A = arith.constant 0 : index
    tpu.barrier barrier_id(%barrier3A)
    %dma_start3A = arith.constant 0 : i32
    %dma_start3A_3 = arith.constant 0 : i32
    %dma_start3A_4 = arith.constant 0 : i32
    %dma_start3A_5 = tpu.memref_slice %arg2[%add3A, %dma_start3A, %dma_start3A_3, %dma_start3A_4] : memref<32x5x25x80xi32, #tpu.memory_space<hbm>> -> memref<1x1x25x80xi32, #tpu.memory_space<hbm>>
    %dma_start3A_6 = tpu.memref_squeeze %dma_start3A_5 : memref<1x1x25x80xi32, #tpu.memory_space<hbm>> -> memref<25x80xi32, #tpu.memory_space<hbm>>
    %dma_start3A_7 = arith.constant 0 : i32
    %dma_start3A_8 = arith.constant 0 : i32
    %dma_start3A_9 = tpu.memref_slice %arg2[%add3A, %dma_start3A, %dma_start3A_7, %dma_start3A_8] : memref<32x5x25x80xi32, #tpu.memory_space<hbm>> -> memref<1x1x25x80xi32, #tpu.memory_space<hbm>>
    %dma_start3A_10 = tpu.memref_squeeze %dma_start3A_9 : memref<1x1x25x80xi32, #tpu.memory_space<hbm>> -> memref<25x80xi32, #tpu.memory_space<hbm>>
    tpu.enqueue_dma source(%dma_start3A_10 : memref<25x80xi32, #tpu.memory_space<hbm>>) target(%arg6 : memref<25x80xi32, #tpu.memory_space<vmem>>) target_semaphore(%arg9 : memref<!tpu.dma_semaphore, #tpu.memory_space<semaphore_mem>>)
    %dma_wait3A = arith.constant 0 : i32
    %dma_wait3A_11 = arith.constant 0 : i32
    %dma_wait3A_12 = arith.constant 0 : i32
    %dma_wait3A_13 = tpu.memref_slice %arg2[%add3A, %dma_wait3A, %dma_wait3A_11, %dma_wait3A_12] : memref<32x5x25x80xi32, #tpu.memory_space<hbm>> -> memref<1x1x25x80xi32, #tpu.memory_space<hbm>>
    %dma_wait3A_14 = tpu.memref_squeeze %dma_wait3A_13 : memref<1x1x25x80xi32, #tpu.memory_space<hbm>> -> memref<25x80xi32, #tpu.memory_space<hbm>>
    %dma_wait3A_15 = arith.constant 0 : i32
    %dma_wait3A_16 = arith.constant 0 : i32
    %dma_wait3A_17 = tpu.memref_slice %arg2[%add3A, %dma_wait3A, %dma_wait3A_15, %dma_wait3A_16] : memref<32x5x25x80xi32, #tpu.memory_space<hbm>> -> memref<1x1x25x80xi32, #tpu.memory_space<hbm>>
    %dma_wait3A_18 = tpu.memref_squeeze %dma_wait3A_17 : memref<1x1x25x80xi32, #tpu.memory_space<hbm>> -> memref<25x80xi32, #tpu.memory_space<hbm>>
    tpu.wait_dma2 semaphore(%arg9 : memref<!tpu.dma_semaphore, #tpu.memory_space<semaphore_mem>>) src(%dma_wait3A_18 : memref<25x80xi32, #tpu.memory_space<hbm>>) dst(%arg6 : memref<25x80xi32, #tpu.memory_space<vmem>>)
    %scan3A = arith.constant 0 : i32
    %scan3A_19 = arith.constant 0 : i32
    %scan3A_20 = arith.constant 25 : i32
    %scan3A_21 = arith.addi %scan3A_19, %scan3A_20 : i32
    %scan3A_22 = arith.constant 1 : i32
    scf.for %scan3A_125 = %scan3A_19 to %scan3A_21 step %scan3A_22  : i32 {
      "tpu.region"() ({
        %run_scoped3A = tpu.sem_alloc : memref<!tpu.dma_semaphore, #tpu.memory_space<semaphore_mem>>
        %dma_start3A_126 = arith.constant 0 : i32
        %dma_start3A_127 = tpu.memref_slice %arg6[%scan3A_125, %dma_start3A_126] : memref<25x80xi32, #tpu.memory_space<vmem>> -> memref<1x80xi32, #tpu.memory_space<vmem>>
        %dma_start3A_128 = tpu.memref_squeeze %dma_start3A_127 : memref<1x80xi32, #tpu.memory_space<vmem>> -> memref<80xi32, #tpu.memory_space<vmem>>
        %dma_start3A_129 = arith.constant 0 : i32
        %dma_start3A_130 = arith.constant 0 : i32
        %dma_start3A_131 = tpu.memref_slice %arg8[%dma_start3A_129, %dma_start3A_130] : memref<10240x128xf32, #tpu.memory_space<vmem_shared>> -> memref<10240x128xf32, #tpu.memory_space<vmem_shared>>
        tpu.enqueue_indirect_dma source(%arg7 : memref<80x128xf32, #tpu.memory_space<vmem>>) target(%dma_start3A_131 : memref<10240x128xf32, #tpu.memory_space<vmem_shared>>) offsets(%dma_start3A_128 : memref<80xi32, #tpu.memory_space<vmem>>) semaphore(%run_scoped3A : memref<!tpu.dma_semaphore, #tpu.memory_space<semaphore_mem>>) {add = true}
        %dma_wait3A_132 = arith.constant 0 : i32
        %dma_wait3A_133 = tpu.memref_slice %arg6[%scan3A_125, %dma_wait3A_132] : memref<25x80xi32, #tpu.memory_space<vmem>> -> memref<1x80xi32, #tpu.memory_space<vmem>>
        %dma_wait3A_134 = tpu.memref_squeeze %dma_wait3A_133 : memref<1x80xi32, #tpu.memory_space<vmem>> -> memref<80xi32, #tpu.memory_space<vmem>>
        %dma_wait3A_135 = arith.constant 0 : i32
        %dma_wait3A_136 = arith.constant 0 : i32
        %dma_wait3A_137 = tpu.memref_slice %arg8[%dma_wait3A_135, %dma_wait3A_136] : memref<10240x128xf32, #tpu.memory_space<vmem_shared>> -> memref<10240x128xf32, #tpu.memory_space<vmem_shared>>
        tpu.wait_indirect_dma semaphore(%run_scoped3A : memref<!tpu.dma_semaphore, #tpu.memory_space<semaphore_mem>>) src(%arg7 : memref<80x128xf32, #tpu.memory_space<vmem>>) dst(%dma_wait3A_137 : memref<10240x128xf32, #tpu.memory_space<vmem_shared>>)
        tpu.yield
      }) : () -> ()
    }
    %scan3A_23 = arith.constant 25 : i32
    %dma_start3A_24 = arith.constant 1 : i32
    %dma_start3A_25 = arith.constant 0 : i32
    %dma_start3A_26 = arith.constant 0 : i32
    %dma_start3A_27 = tpu.memref_slice %arg2[%add3A, %dma_start3A_24, %dma_start3A_25, %dma_start3A_26] : memref<32x5x25x80xi32, #tpu.memory_space<hbm>> -> memref<1x1x25x80xi32, #tpu.memory_space<hbm>>
    %dma_start3A_28 = tpu.memref_squeeze %dma_start3A_27 : memref<1x1x25x80xi32, #tpu.memory_space<hbm>> -> memref<25x80xi32, #tpu.memory_space<hbm>>
    %dma_start3A_29 = arith.constant 0 : i32
    %dma_start3A_30 = arith.constant 0 : i32
    %dma_start3A_31 = tpu.memref_slice %arg2[%add3A, %dma_start3A_24, %dma_start3A_29, %dma_start3A_30] : memref<32x5x25x80xi32, #tpu.memory_space<hbm>> -> memref<1x1x25x80xi32, #tpu.memory_space<hbm>>
    %dma_start3A_32 = tpu.memref_squeeze %dma_start3A_31 : memref<1x1x25x80xi32, #tpu.memory_space<hbm>> -> memref<25x80xi32, #tpu.memory_space<hbm>>
    tpu.enqueue_dma source(%dma_start3A_32 : memref<25x80xi32, #tpu.memory_space<hbm>>) target(%arg6 : memref<25x80xi32, #tpu.memory_space<vmem>>) target_semaphore(%arg9 : memref<!tpu.dma_semaphore, #tpu.memory_space<semaphore_mem>>)
    %dma_wait3A_33 = arith.constant 1 : i32
    %dma_wait3A_34 = arith.constant 0 : i32
    %dma_wait3A_35 = arith.constant 0 : i32
    %dma_wait3A_36 = tpu.memref_slice %arg2[%add3A, %dma_wait3A_33, %dma_wait3A_34, %dma_wait3A_35] : memref<32x5x25x80xi32, #tpu.memory_space<hbm>> -> memref<1x1x25x80xi32, #tpu.memory_space<hbm>>
    %dma_wait3A_37 = tpu.memref_squeeze %dma_wait3A_36 : memref<1x1x25x80xi32, #tpu.memory_space<hbm>> -> memref<25x80xi32, #tpu.memory_space<hbm>>
    %dma_wait3A_38 = arith.constant 0 : i32
    %dma_wait3A_39 = arith.constant 0 : i32
    %dma_wait3A_40 = tpu.memref_slice %arg2[%add3A, %dma_wait3A_33, %dma_wait3A_38, %dma_wait3A_39] : memref<32x5x25x80xi32, #tpu.memory_space<hbm>> -> memref<1x1x25x80xi32, #tpu.memory_space<hbm>>
    %dma_wait3A_41 = tpu.memref_squeeze %dma_wait3A_40 : memref<1x1x25x80xi32, #tpu.memory_space<hbm>> -> memref<25x80xi32, #tpu.memory_space<hbm>>
    tpu.wait_dma2 semaphore(%arg9 : memref<!tpu.dma_semaphore, #tpu.memory_space<semaphore_mem>>) src(%dma_wait3A_41 : memref<25x80xi32, #tpu.memory_space<hbm>>) dst(%arg6 : memref<25x80xi32, #tpu.memory_space<vmem>>)
    %scan3A_42 = arith.constant 0 : i32
    %scan3A_43 = arith.constant 0 : i32
    %scan3A_44 = arith.constant 25 : i32
    %scan3A_45 = arith.addi %scan3A_43, %scan3A_44 : i32
    %scan3A_46 = arith.constant 1 : i32
    scf.for %scan3A_125 = %scan3A_43 to %scan3A_45 step %scan3A_46  : i32 {
      "tpu.region"() ({
        %run_scoped3A = tpu.sem_alloc : memref<!tpu.dma_semaphore, #tpu.memory_space<semaphore_mem>>
        %dma_start3A_126 = arith.constant 0 : i32
        %dma_start3A_127 = tpu.memref_slice %arg6[%scan3A_125, %dma_start3A_126] : memref<25x80xi32, #tpu.memory_space<vmem>> -> memref<1x80xi32, #tpu.memory_space<vmem>>
        %dma_start3A_128 = tpu.memref_squeeze %dma_start3A_127 : memref<1x80xi32, #tpu.memory_space<vmem>> -> memref<80xi32, #tpu.memory_space<vmem>>
        %dma_start3A_129 = arith.constant 0 : i32
        %dma_start3A_130 = arith.constant 0 : i32
        %dma_start3A_131 = tpu.memref_slice %arg8[%dma_start3A_129, %dma_start3A_130] : memref<10240x128xf32, #tpu.memory_space<vmem_shared>> -> memref<10240x128xf32, #tpu.memory_space<vmem_shared>>
        tpu.enqueue_indirect_dma source(%arg7 : memref<80x128xf32, #tpu.memory_space<vmem>>) target(%dma_start3A_131 : memref<10240x128xf32, #tpu.memory_space<vmem_shared>>) offsets(%dma_start3A_128 : memref<80xi32, #tpu.memory_space<vmem>>) semaphore(%run_scoped3A : memref<!tpu.dma_semaphore, #tpu.memory_space<semaphore_mem>>) {add = true}
        %dma_wait3A_132 = arith.constant 0 : i32
        %dma_wait3A_133 = tpu.memref_slice %arg6[%scan3A_125, %dma_wait3A_132] : memref<25x80xi32, #tpu.memory_space<vmem>> -> memref<1x80xi32, #tpu.memory_space<vmem>>
        %dma_wait3A_134 = tpu.memref_squeeze %dma_wait3A_133 : memref<1x80xi32, #tpu.memory_space<vmem>> -> memref<80xi32, #tpu.memory_space<vmem>>
        %dma_wait3A_135 = arith.constant 0 : i32
        %dma_wait3A_136 = arith.constant 0 : i32
        %dma_wait3A_137 = tpu.memref_slice %arg8[%dma_wait3A_135, %dma_wait3A_136] : memref<10240x128xf32, #tpu.memory_space<vmem_shared>> -> memref<10240x128xf32, #tpu.memory_space<vmem_shared>>
        tpu.wait_indirect_dma semaphore(%run_scoped3A : memref<!tpu.dma_semaphore, #tpu.memory_space<semaphore_mem>>) src(%arg7 : memref<80x128xf32, #tpu.memory_space<vmem>>) dst(%dma_wait3A_137 : memref<10240x128xf32, #tpu.memory_space<vmem_shared>>)
        tpu.yield
      }) : () -> ()
    }
    %scan3A_47 = arith.constant 25 : i32
    %dma_start3A_48 = arith.constant 2 : i32
    %dma_start3A_49 = arith.constant 0 : i32
    %dma_start3A_50 = arith.constant 0 : i32
    %dma_start3A_51 = tpu.memref_slice %arg2[%add3A, %dma_start3A_48, %dma_start3A_49, %dma_start3A_50] : memref<32x5x25x80xi32, #tpu.memory_space<hbm>> -> memref<1x1x25x80xi32, #tpu.memory_space<hbm>>
    %dma_start3A_52 = tpu.memref_squeeze %dma_start3A_51 : memref<1x1x25x80xi32, #tpu.memory_space<hbm>> -> memref<25x80xi32, #tpu.memory_space<hbm>>
    %dma_start3A_53 = arith.constant 0 : i32
    %dma_start3A_54 = arith.constant 0 : i32
    %dma_start3A_55 = tpu.memref_slice %arg2[%add3A, %dma_start3A_48, %dma_start3A_53, %dma_start3A_54] : memref<32x5x25x80xi32, #tpu.memory_space<hbm>> -> memref<1x1x25x80xi32, #tpu.memory_space<hbm>>
    %dma_start3A_56 = tpu.memref_squeeze %dma_start3A_55 : memref<1x1x25x80xi32, #tpu.memory_space<hbm>> -> memref<25x80xi32, #tpu.memory_space<hbm>>
    tpu.enqueue_dma source(%dma_start3A_56 : memref<25x80xi32, #tpu.memory_space<hbm>>) target(%arg6 : memref<25x80xi32, #tpu.memory_space<vmem>>) target_semaphore(%arg9 : memref<!tpu.dma_semaphore, #tpu.memory_space<semaphore_mem>>)
    %dma_wait3A_57 = arith.constant 2 : i32
    %dma_wait3A_58 = arith.constant 0 : i32
    %dma_wait3A_59 = arith.constant 0 : i32
    %dma_wait3A_60 = tpu.memref_slice %arg2[%add3A, %dma_wait3A_57, %dma_wait3A_58, %dma_wait3A_59] : memref<32x5x25x80xi32, #tpu.memory_space<hbm>> -> memref<1x1x25x80xi32, #tpu.memory_space<hbm>>
    %dma_wait3A_61 = tpu.memref_squeeze %dma_wait3A_60 : memref<1x1x25x80xi32, #tpu.memory_space<hbm>> -> memref<25x80xi32, #tpu.memory_space<hbm>>
    %dma_wait3A_62 = arith.constant 0 : i32
    %dma_wait3A_63 = arith.constant 0 : i32
    %dma_wait3A_64 = tpu.memref_slice %arg2[%add3A, %dma_wait3A_57, %dma_wait3A_62, %dma_wait3A_63] : memref<32x5x25x80xi32, #tpu.memory_space<hbm>> -> memref<1x1x25x80xi32, #tpu.memory_space<hbm>>
    %dma_wait3A_65 = tpu.memref_squeeze %dma_wait3A_64 : memref<1x1x25x80xi32, #tpu.memory_space<hbm>> -> memref<25x80xi32, #tpu.memory_space<hbm>>
    tpu.wait_dma2 semaphore(%arg9 : memref<!tpu.dma_semaphore, #tpu.memory_space<semaphore_mem>>) src(%dma_wait3A_65 : memref<25x80xi32, #tpu.memory_space<hbm>>) dst(%arg6 : memref<25x80xi32, #tpu.memory_space<vmem>>)
    %scan3A_66 = arith.constant 0 : i32
    %scan3A_67 = arith.constant 0 : i32
    %scan3A_68 = arith.constant 25 : i32
    %scan3A_69 = arith.addi %scan3A_67, %scan3A_68 : i32
    %scan3A_70 = arith.constant 1 : i32
    scf.for %scan3A_125 = %scan3A_67 to %scan3A_69 step %scan3A_70  : i32 {
      "tpu.region"() ({
        %run_scoped3A = tpu.sem_alloc : memref<!tpu.dma_semaphore, #tpu.memory_space<semaphore_mem>>
        %dma_start3A_126 = arith.constant 0 : i32
        %dma_start3A_127 = tpu.memref_slice %arg6[%scan3A_125, %dma_start3A_126] : memref<25x80xi32, #tpu.memory_space<vmem>> -> memref<1x80xi32, #tpu.memory_space<vmem>>
        %dma_start3A_128 = tpu.memref_squeeze %dma_start3A_127 : memref<1x80xi32, #tpu.memory_space<vmem>> -> memref<80xi32, #tpu.memory_space<vmem>>
        %dma_start3A_129 = arith.constant 0 : i32
        %dma_start3A_130 = arith.constant 0 : i32
        %dma_start3A_131 = tpu.memref_slice %arg8[%dma_start3A_129, %dma_start3A_130] : memref<10240x128xf32, #tpu.memory_space<vmem_shared>> -> memref<10240x128xf32, #tpu.memory_space<vmem_shared>>
        tpu.enqueue_indirect_dma source(%arg7 : memref<80x128xf32, #tpu.memory_space<vmem>>) target(%dma_start3A_131 : memref<10240x128xf32, #tpu.memory_space<vmem_shared>>) offsets(%dma_start3A_128 : memref<80xi32, #tpu.memory_space<vmem>>) semaphore(%run_scoped3A : memref<!tpu.dma_semaphore, #tpu.memory_space<semaphore_mem>>) {add = true}
        %dma_wait3A_132 = arith.constant 0 : i32
        %dma_wait3A_133 = tpu.memref_slice %arg6[%scan3A_125, %dma_wait3A_132] : memref<25x80xi32, #tpu.memory_space<vmem>> -> memref<1x80xi32, #tpu.memory_space<vmem>>
        %dma_wait3A_134 = tpu.memref_squeeze %dma_wait3A_133 : memref<1x80xi32, #tpu.memory_space<vmem>> -> memref<80xi32, #tpu.memory_space<vmem>>
        %dma_wait3A_135 = arith.constant 0 : i32
        %dma_wait3A_136 = arith.constant 0 : i32
        %dma_wait3A_137 = tpu.memref_slice %arg8[%dma_wait3A_135, %dma_wait3A_136] : memref<10240x128xf32, #tpu.memory_space<vmem_shared>> -> memref<10240x128xf32, #tpu.memory_space<vmem_shared>>
        tpu.wait_indirect_dma semaphore(%run_scoped3A : memref<!tpu.dma_semaphore, #tpu.memory_space<semaphore_mem>>) src(%arg7 : memref<80x128xf32, #tpu.memory_space<vmem>>) dst(%dma_wait3A_137 : memref<10240x128xf32, #tpu.memory_space<vmem_shared>>)
        tpu.yield
      }) : () -> ()
    }
    %scan3A_71 = arith.constant 25 : i32
    %dma_start3A_72 = arith.constant 3 : i32
    %dma_start3A_73 = arith.constant 0 : i32
    %dma_start3A_74 = arith.constant 0 : i32
    %dma_start3A_75 = tpu.memref_slice %arg2[%add3A, %dma_start3A_72, %dma_start3A_73, %dma_start3A_74] : memref<32x5x25x80xi32, #tpu.memory_space<hbm>> -> memref<1x1x25x80xi32, #tpu.memory_space<hbm>>
    %dma_start3A_76 = tpu.memref_squeeze %dma_start3A_75 : memref<1x1x25x80xi32, #tpu.memory_space<hbm>> -> memref<25x80xi32, #tpu.memory_space<hbm>>
    %dma_start3A_77 = arith.constant 0 : i32
    %dma_start3A_78 = arith.constant 0 : i32
    %dma_start3A_79 = tpu.memref_slice %arg2[%add3A, %dma_start3A_72, %dma_start3A_77, %dma_start3A_78] : memref<32x5x25x80xi32, #tpu.memory_space<hbm>> -> memref<1x1x25x80xi32, #tpu.memory_space<hbm>>
    %dma_start3A_80 = tpu.memref_squeeze %dma_start3A_79 : memref<1x1x25x80xi32, #tpu.memory_space<hbm>> -> memref<25x80xi32, #tpu.memory_space<hbm>>
    tpu.enqueue_dma source(%dma_start3A_80 : memref<25x80xi32, #tpu.memory_space<hbm>>) target(%arg6 : memref<25x80xi32, #tpu.memory_space<vmem>>) target_semaphore(%arg9 : memref<!tpu.dma_semaphore, #tpu.memory_space<semaphore_mem>>)
    %dma_wait3A_81 = arith.constant 3 : i32
    %dma_wait3A_82 = arith.constant 0 : i32
    %dma_wait3A_83 = arith.constant 0 : i32
    %dma_wait3A_84 = tpu.memref_slice %arg2[%add3A, %dma_wait3A_81, %dma_wait3A_82, %dma_wait3A_83] : memref<32x5x25x80xi32, #tpu.memory_space<hbm>> -> memref<1x1x25x80xi32, #tpu.memory_space<hbm>>
    %dma_wait3A_85 = tpu.memref_squeeze %dma_wait3A_84 : memref<1x1x25x80xi32, #tpu.memory_space<hbm>> -> memref<25x80xi32, #tpu.memory_space<hbm>>
    %dma_wait3A_86 = arith.constant 0 : i32
    %dma_wait3A_87 = arith.constant 0 : i32
    %dma_wait3A_88 = tpu.memref_slice %arg2[%add3A, %dma_wait3A_81, %dma_wait3A_86, %dma_wait3A_87] : memref<32x5x25x80xi32, #tpu.memory_space<hbm>> -> memref<1x1x25x80xi32, #tpu.memory_space<hbm>>
    %dma_wait3A_89 = tpu.memref_squeeze %dma_wait3A_88 : memref<1x1x25x80xi32, #tpu.memory_space<hbm>> -> memref<25x80xi32, #tpu.memory_space<hbm>>
    tpu.wait_dma2 semaphore(%arg9 : memref<!tpu.dma_semaphore, #tpu.memory_space<semaphore_mem>>) src(%dma_wait3A_89 : memref<25x80xi32, #tpu.memory_space<hbm>>) dst(%arg6 : memref<25x80xi32, #tpu.memory_space<vmem>>)
    %scan3A_90 = arith.constant 0 : i32
    %scan3A_91 = arith.constant 0 : i32
    %scan3A_92 = arith.constant 25 : i32
    %scan3A_93 = arith.addi %scan3A_91, %scan3A_92 : i32
    %scan3A_94 = arith.constant 1 : i32
    scf.for %scan3A_125 = %scan3A_91 to %scan3A_93 step %scan3A_94  : i32 {
      "tpu.region"() ({
        %run_scoped3A = tpu.sem_alloc : memref<!tpu.dma_semaphore, #tpu.memory_space<semaphore_mem>>
        %dma_start3A_126 = arith.constant 0 : i32
        %dma_start3A_127 = tpu.memref_slice %arg6[%scan3A_125, %dma_start3A_126] : memref<25x80xi32, #tpu.memory_space<vmem>> -> memref<1x80xi32, #tpu.memory_space<vmem>>
        %dma_start3A_128 = tpu.memref_squeeze %dma_start3A_127 : memref<1x80xi32, #tpu.memory_space<vmem>> -> memref<80xi32, #tpu.memory_space<vmem>>
        %dma_start3A_129 = arith.constant 0 : i32
        %dma_start3A_130 = arith.constant 0 : i32
        %dma_start3A_131 = tpu.memref_slice %arg8[%dma_start3A_129, %dma_start3A_130] : memref<10240x128xf32, #tpu.memory_space<vmem_shared>> -> memref<10240x128xf32, #tpu.memory_space<vmem_shared>>
        tpu.enqueue_indirect_dma source(%arg7 : memref<80x128xf32, #tpu.memory_space<vmem>>) target(%dma_start3A_131 : memref<10240x128xf32, #tpu.memory_space<vmem_shared>>) offsets(%dma_start3A_128 : memref<80xi32, #tpu.memory_space<vmem>>) semaphore(%run_scoped3A : memref<!tpu.dma_semaphore, #tpu.memory_space<semaphore_mem>>) {add = true}
        %dma_wait3A_132 = arith.constant 0 : i32
        %dma_wait3A_133 = tpu.memref_slice %arg6[%scan3A_125, %dma_wait3A_132] : memref<25x80xi32, #tpu.memory_space<vmem>> -> memref<1x80xi32, #tpu.memory_space<vmem>>
        %dma_wait3A_134 = tpu.memref_squeeze %dma_wait3A_133 : memref<1x80xi32, #tpu.memory_space<vmem>> -> memref<80xi32, #tpu.memory_space<vmem>>
        %dma_wait3A_135 = arith.constant 0 : i32
        %dma_wait3A_136 = arith.constant 0 : i32
        %dma_wait3A_137 = tpu.memref_slice %arg8[%dma_wait3A_135, %dma_wait3A_136] : memref<10240x128xf32, #tpu.memory_space<vmem_shared>> -> memref<10240x128xf32, #tpu.memory_space<vmem_shared>>
        tpu.wait_indirect_dma semaphore(%run_scoped3A : memref<!tpu.dma_semaphore, #tpu.memory_space<semaphore_mem>>) src(%arg7 : memref<80x128xf32, #tpu.memory_space<vmem>>) dst(%dma_wait3A_137 : memref<10240x128xf32, #tpu.memory_space<vmem_shared>>)
        tpu.yield
      }) : () -> ()
    }
    %scan3A_95 = arith.constant 25 : i32
    %dma_start3A_96 = arith.constant 4 : i32
    %dma_start3A_97 = arith.constant 0 : i32
    %dma_start3A_98 = arith.constant 0 : i32
    %dma_start3A_99 = tpu.memref_slice %arg2[%add3A, %dma_start3A_96, %dma_start3A_97, %dma_start3A_98] : memref<32x5x25x80xi32, #tpu.memory_space<hbm>> -> memref<1x1x25x80xi32, #tpu.memory_space<hbm>>
    %dma_start3A_100 = tpu.memref_squeeze %dma_start3A_99 : memref<1x1x25x80xi32, #tpu.memory_space<hbm>> -> memref<25x80xi32, #tpu.memory_space<hbm>>
    %dma_start3A_101 = arith.constant 0 : i32
    %dma_start3A_102 = arith.constant 0 : i32
    %dma_start3A_103 = tpu.memref_slice %arg2[%add3A, %dma_start3A_96, %dma_start3A_101, %dma_start3A_102] : memref<32x5x25x80xi32, #tpu.memory_space<hbm>> -> memref<1x1x25x80xi32, #tpu.memory_space<hbm>>
    %dma_start3A_104 = tpu.memref_squeeze %dma_start3A_103 : memref<1x1x25x80xi32, #tpu.memory_space<hbm>> -> memref<25x80xi32, #tpu.memory_space<hbm>>
    tpu.enqueue_dma source(%dma_start3A_104 : memref<25x80xi32, #tpu.memory_space<hbm>>) target(%arg6 : memref<25x80xi32, #tpu.memory_space<vmem>>) target_semaphore(%arg9 : memref<!tpu.dma_semaphore, #tpu.memory_space<semaphore_mem>>)
    %dma_wait3A_105 = arith.constant 4 : i32
    %dma_wait3A_106 = arith.constant 0 : i32
    %dma_wait3A_107 = arith.constant 0 : i32
    %dma_wait3A_108 = tpu.memref_slice %arg2[%add3A, %dma_wait3A_105, %dma_wait3A_106, %dma_wait3A_107] : memref<32x5x25x80xi32, #tpu.memory_space<hbm>> -> memref<1x1x25x80xi32, #tpu.memory_space<hbm>>
    %dma_wait3A_109 = tpu.memref_squeeze %dma_wait3A_108 : memref<1x1x25x80xi32, #tpu.memory_space<hbm>> -> memref<25x80xi32, #tpu.memory_space<hbm>>
    %dma_wait3A_110 = arith.constant 0 : i32
    %dma_wait3A_111 = arith.constant 0 : i32
    %dma_wait3A_112 = tpu.memref_slice %arg2[%add3A, %dma_wait3A_105, %dma_wait3A_110, %dma_wait3A_111] : memref<32x5x25x80xi32, #tpu.memory_space<hbm>> -> memref<1x1x25x80xi32, #tpu.memory_space<hbm>>
    %dma_wait3A_113 = tpu.memref_squeeze %dma_wait3A_112 : memref<1x1x25x80xi32, #tpu.memory_space<hbm>> -> memref<25x80xi32, #tpu.memory_space<hbm>>
    tpu.wait_dma2 semaphore(%arg9 : memref<!tpu.dma_semaphore, #tpu.memory_space<semaphore_mem>>) src(%dma_wait3A_113 : memref<25x80xi32, #tpu.memory_space<hbm>>) dst(%arg6 : memref<25x80xi32, #tpu.memory_space<vmem>>)
    %scan3A_114 = arith.constant 0 : i32
    %scan3A_115 = arith.constant 0 : i32
    %scan3A_116 = arith.constant 25 : i32
    %scan3A_117 = arith.addi %scan3A_115, %scan3A_116 : i32
    %scan3A_118 = arith.constant 1 : i32
    scf.for %scan3A_125 = %scan3A_115 to %scan3A_117 step %scan3A_118  : i32 {
      "tpu.region"() ({
        %run_scoped3A = tpu.sem_alloc : memref<!tpu.dma_semaphore, #tpu.memory_space<semaphore_mem>>
        %dma_start3A_126 = arith.constant 0 : i32
        %dma_start3A_127 = tpu.memref_slice %arg6[%scan3A_125, %dma_start3A_126] : memref<25x80xi32, #tpu.memory_space<vmem>> -> memref<1x80xi32, #tpu.memory_space<vmem>>
        %dma_start3A_128 = tpu.memref_squeeze %dma_start3A_127 : memref<1x80xi32, #tpu.memory_space<vmem>> -> memref<80xi32, #tpu.memory_space<vmem>>
        %dma_start3A_129 = arith.constant 0 : i32
        %dma_start3A_130 = arith.constant 0 : i32
        %dma_start3A_131 = tpu.memref_slice %arg8[%dma_start3A_129, %dma_start3A_130] : memref<10240x128xf32, #tpu.memory_space<vmem_shared>> -> memref<10240x128xf32, #tpu.memory_space<vmem_shared>>
        tpu.enqueue_indirect_dma source(%arg7 : memref<80x128xf32, #tpu.memory_space<vmem>>) target(%dma_start3A_131 : memref<10240x128xf32, #tpu.memory_space<vmem_shared>>) offsets(%dma_start3A_128 : memref<80xi32, #tpu.memory_space<vmem>>) semaphore(%run_scoped3A : memref<!tpu.dma_semaphore, #tpu.memory_space<semaphore_mem>>) {add = true}
        %dma_wait3A_132 = arith.constant 0 : i32
        %dma_wait3A_133 = tpu.memref_slice %arg6[%scan3A_125, %dma_wait3A_132] : memref<25x80xi32, #tpu.memory_space<vmem>> -> memref<1x80xi32, #tpu.memory_space<vmem>>
        %dma_wait3A_134 = tpu.memref_squeeze %dma_wait3A_133 : memref<1x80xi32, #tpu.memory_space<vmem>> -> memref<80xi32, #tpu.memory_space<vmem>>
        %dma_wait3A_135 = arith.constant 0 : i32
        %dma_wait3A_136 = arith.constant 0 : i32
        %dma_wait3A_137 = tpu.memref_slice %arg8[%dma_wait3A_135, %dma_wait3A_136] : memref<10240x128xf32, #tpu.memory_space<vmem_shared>> -> memref<10240x128xf32, #tpu.memory_space<vmem_shared>>
        tpu.wait_indirect_dma semaphore(%run_scoped3A : memref<!tpu.dma_semaphore, #tpu.memory_space<semaphore_mem>>) src(%arg7 : memref<80x128xf32, #tpu.memory_space<vmem>>) dst(%dma_wait3A_137 : memref<10240x128xf32, #tpu.memory_space<vmem_shared>>)
        tpu.yield
      }) : () -> ()
    }
    %scan3A_119 = arith.constant 25 : i32
    %barrier3A_120 = arith.constant 0 : index
    tpu.barrier barrier_id(%barrier3A_120)
    %mul3A_121 = arith.constant 640 : i32
    %mul3A_122 = arith.muli %arg1, %mul3A_121 : i32
    %mul3A_123 = arith.constant 640 : i32
    %mul3A_124 = arith.muli %arg1, %mul3A_123 : i32
    "tpu.region"() ({
      %run_scoped3A = tpu.sem_alloc : memref<!tpu.dma_semaphore, #tpu.memory_space<semaphore_mem>>
      %dma_start3A_125 = arith.constant 0 : i32
      %dma_start3A_126 = tpu.memref_slice %arg5[%arg0, %mul3A_124, %dma_start3A_125] : memref<2x10240x128xf32, #tpu.memory_space<hbm>> -> memref<1x640x128xf32, #tpu.memory_space<hbm>>
      %dma_start3A_127 = tpu.memref_squeeze %dma_start3A_126 : memref<1x640x128xf32, #tpu.memory_space<hbm>> -> memref<640x128xf32, #tpu.memory_space<hbm>>
      %dma_start3A_128 = arith.constant 0 : i32
      %dma_start3A_129 = tpu.memref_slice %arg8[%mul3A_122, %dma_start3A_128] : memref<10240x128xf32, #tpu.memory_space<vmem_shared>> -> memref<640x128xf32, #tpu.memory_space<vmem_shared>>
      tpu.enqueue_dma source(%dma_start3A_129 : memref<640x128xf32, #tpu.memory_space<vmem_shared>>) target(%dma_start3A_127 : memref<640x128xf32, #tpu.memory_space<hbm>>) target_semaphore(%run_scoped3A : memref<!tpu.dma_semaphore, #tpu.memory_space<semaphore_mem>>)
      %dma_wait3A_130 = arith.constant 0 : i32
      %dma_wait3A_131 = tpu.memref_slice %arg5[%arg0, %mul3A_124, %dma_wait3A_130] : memref<2x10240x128xf32, #tpu.memory_space<hbm>> -> memref<1x640x128xf32, #tpu.memory_space<hbm>>
      %dma_wait3A_132 = tpu.memref_squeeze %dma_wait3A_131 : memref<1x640x128xf32, #tpu.memory_space<hbm>> -> memref<640x128xf32, #tpu.memory_space<hbm>>
      %dma_wait3A_133 = arith.constant 0 : i32
      %dma_wait3A_134 = tpu.memref_slice %arg8[%mul3A_122, %dma_wait3A_133] : memref<10240x128xf32, #tpu.memory_space<vmem_shared>> -> memref<640x128xf32, #tpu.memory_space<vmem_shared>>
      tpu.wait_dma2 semaphore(%run_scoped3A : memref<!tpu.dma_semaphore, #tpu.memory_space<semaphore_mem>>) src(%dma_wait3A_134 : memref<640x128xf32, #tpu.memory_space<vmem_shared>>) dst(%dma_wait3A_132 : memref<640x128xf32, #tpu.memory_space<hbm>>)
      tpu.yield
    }) : () -> ()
    return
  }
}

module attributes {stable_mosaic.version = 14 : i64} {
  func.func @_tc_prep_body(%arg0: i32, %arg1: memref<2x5000x128xf32, #tpu.memory_space<vmem>>, %arg2: memref<5000x128xf32, #tpu.memory_space<vmem>>, %arg3: memref<5000x128xf32, #tpu.memory_space<vmem>>, %arg4: memref<5000x128xf32, #tpu.memory_space<vmem>>, %arg5: memref<5000x128xf32, #tpu.memory_space<vmem>>) attributes {dimension_semantics = [#tpu.dimension_semantics<arbitrary>], iteration_bounds = array<i64: 2>, scalar_prefetch = 0 : i64, scratch_operands = 0 : i64, tpu.core_type = #tpu.core_type<tc>, window_params = [{transform_indices = @transform_0, window_bounds = array<i64: 2, 5000, 128>}, {transform_indices = @transform_1, window_bounds = array<i64: 5000, 128>}, {transform_indices = @transform_2, window_bounds = array<i64: 5000, 128>}, {transform_indices = @transform_3, window_bounds = array<i64: 5000, 128>}, {transform_indices = @transform_4, window_bounds = array<i64: 5000, 128>}]} {
    %get3A = arith.constant 0 : index
    %get3A_0 = arith.constant 0 : index
    %get3A_1 = arith.constant 0 : index
    %get3A_2 = vector.load %arg1[%get3A, %get3A_0, %get3A_1] : memref<2x5000x128xf32, #tpu.memory_space<vmem>>, vector<1x5000x1xf32>
    %get3A_3 = vector.shape_cast %get3A_2 : vector<1x5000x1xf32> to vector<5000x1xf32>
    %get3A_4 = arith.constant 1 : index
    %get3A_5 = arith.constant 0 : index
    %get3A_6 = arith.constant 0 : index
    %get3A_7 = vector.load %arg1[%get3A_4, %get3A_5, %get3A_6] : memref<2x5000x128xf32, #tpu.memory_space<vmem>>, vector<1x5000x1xf32>
    %get3A_8 = vector.shape_cast %get3A_7 : vector<1x5000x1xf32> to vector<5000x1xf32>
    %add3A = arith.addf %get3A_3, %get3A_8 : vector<5000x1xf32>
    %gt3A = arith.constant 0.000000e+00 : f32
    %gt3A_9 = vector.broadcast %gt3A : f32 to vector<5000x1xf32>
    %gt3A_10 = arith.cmpf ogt, %add3A, %gt3A_9 : vector<5000x1xf32>
    %rsqrt3A = math.rsqrt %add3A : vector<5000x1xf32>
    %jit3A = arith.constant 0.000000e+00 : f32
    %broadcast_in_dim3A = vector.broadcast %jit3A : f32 to vector<5000x1xf32>
    %select_n3A = arith.select %gt3A_10, %rsqrt3A, %broadcast_in_dim3A : vector<5000x1xi1>, vector<5000x1xf32>
    %broadcast_in_dim3A_11 = vector.shape_cast %select_n3A : vector<5000x1xf32> to vector<5000x1xf32>
    %broadcast_in_dim3A_12 = vector.broadcast %broadcast_in_dim3A_11 : vector<5000x1xf32> to vector<5000x128xf32>
    %swap3A = arith.constant 0 : index
    %swap3A_13 = arith.constant 0 : index
    %swap3A_14 = vector.load %arg3[%swap3A, %swap3A_13] : memref<5000x128xf32, #tpu.memory_space<vmem>>, vector<5000x128xf32>
    tpu.vector_store %arg3[%swap3A, %swap3A_13], %broadcast_in_dim3A_12 {strides = array<i32>} : memref<5000x128xf32, #tpu.memory_space<vmem>>, vector<5000x128xf32>,
    %get3A_15 = arith.constant 0 : index
    %get3A_16 = arith.constant 0 : index
    %get3A_17 = vector.load %arg2[%get3A_15, %get3A_16] : memref<5000x128xf32, #tpu.memory_space<vmem>>, vector<5000x128xf32>
    %mul3A = arith.mulf %broadcast_in_dim3A_12, %get3A_17 : vector<5000x128xf32>
    %swap3A_18 = arith.constant 0 : index
    %swap3A_19 = arith.constant 0 : index
    %swap3A_20 = vector.load %arg4[%swap3A_18, %swap3A_19] : memref<5000x128xf32, #tpu.memory_space<vmem>>, vector<5000x128xf32>
    tpu.vector_store %arg4[%swap3A_18, %swap3A_19], %mul3A {strides = array<i32>} : memref<5000x128xf32, #tpu.memory_space<vmem>>, vector<5000x128xf32>,
    %get3A_21 = arith.constant 0 : index
    %get3A_22 = arith.constant 0 : index
    %get3A_23 = vector.load %arg2[%get3A_21, %get3A_22] : memref<5000x128xf32, #tpu.memory_space<vmem>>, vector<5000x128xf32>
    %mul3A_24 = arith.constant 2.500000e-01 : f32
    %mul3A_25 = vector.broadcast %mul3A_24 : f32 to vector<5000x128xf32>
    %mul3A_26 = arith.mulf %get3A_23, %mul3A_25 : vector<5000x128xf32>
    %swap3A_27 = arith.constant 0 : index
    %swap3A_28 = arith.constant 0 : index
    %swap3A_29 = vector.load %arg5[%swap3A_27, %swap3A_28] : memref<5000x128xf32, #tpu.memory_space<vmem>>, vector<5000x128xf32>
    tpu.vector_store %arg5[%swap3A_27, %swap3A_28], %mul3A_26 {strides = array<i32>} : memref<5000x128xf32, #tpu.memory_space<vmem>>, vector<5000x128xf32>,
    return
  }
  func.func @transform_0(%arg0: i32) -> (i32, i32, i32) {
    %c0_i32 = arith.constant 0 : i32
    %c0_i32_0 = arith.constant 0 : i32
    %c0_i32_1 = arith.constant 0 : i32
    return %c0_i32, %arg0, %c0_i32_0 : i32, i32, i32
  }
  func.func @transform_1(%arg0: i32) -> (i32, i32) {
    %c0_i32 = arith.constant 0 : i32
    %c0_i32_0 = arith.constant 0 : i32
    return %arg0, %c0_i32 : i32, i32
  }
  func.func @transform_2(%arg0: i32) -> (i32, i32) {
    %c0_i32 = arith.constant 0 : i32
    %c0_i32_0 = arith.constant 0 : i32
    return %arg0, %c0_i32 : i32, i32
  }
  func.func @transform_3(%arg0: i32) -> (i32, i32) {
    %c0_i32 = arith.constant 0 : i32
    %c0_i32_0 = arith.constant 0 : i32
    return %arg0, %c0_i32 : i32, i32
  }
  func.func @transform_4(%arg0: i32) -> (i32, i32) {
    %c0_i32 = arith.constant 0 : i32
    %c0_i32_0 = arith.constant 0 : i32
    return %arg0, %c0_i32 : i32, i32
  }
}

module attributes {stable_mosaic.version = 14 : i64} {
  func.func @_tc_combine_body(%arg0: i32, %arg1: memref<2x5000x128xf32, #tpu.memory_space<vmem>>, %arg2: memref<5000x128xf32, #tpu.memory_space<vmem>>, %arg3: memref<5000x128xf32, #tpu.memory_space<vmem>>, %arg4: memref<5000x128xf32, #tpu.memory_space<vmem>>, %arg5: memref<5000x128xf32, #tpu.memory_space<vmem>>) attributes {dimension_semantics = [#tpu.dimension_semantics<arbitrary>], iteration_bounds = array<i64: 2>, scalar_prefetch = 0 : i64, scratch_operands = 0 : i64, tpu.core_type = #tpu.core_type<tc>, window_params = [{transform_indices = @transform_0, window_bounds = array<i64: 2, 5000, 128>}, {transform_indices = @transform_1, window_bounds = array<i64: 5000, 128>}, {transform_indices = @transform_2, window_bounds = array<i64: 5000, 128>}, {transform_indices = @transform_3, window_bounds = array<i64: 5000, 128>}, {transform_indices = @transform_4, window_bounds = array<i64: 5000, 128>}]} {
    %get3A = arith.constant 0 : index
    %get3A_0 = arith.constant 0 : index
    %get3A_1 = vector.load %arg2[%get3A, %get3A_0] : memref<5000x128xf32, #tpu.memory_space<vmem>>, vector<5000x128xf32>
    %get3A_2 = arith.constant 0 : index
    %get3A_3 = arith.constant 0 : index
    %get3A_4 = arith.constant 0 : index
    %get3A_5 = vector.load %arg1[%get3A_2, %get3A_3, %get3A_4] : memref<2x5000x128xf32, #tpu.memory_space<vmem>>, vector<1x5000x128xf32>
    %get3A_6 = vector.shape_cast %get3A_5 : vector<1x5000x128xf32> to vector<5000x128xf32>
    %get3A_7 = arith.constant 1 : index
    %get3A_8 = arith.constant 0 : index
    %get3A_9 = arith.constant 0 : index
    %get3A_10 = vector.load %arg1[%get3A_7, %get3A_8, %get3A_9] : memref<2x5000x128xf32, #tpu.memory_space<vmem>>, vector<1x5000x128xf32>
    %get3A_11 = vector.shape_cast %get3A_10 : vector<1x5000x128xf32> to vector<5000x128xf32>
    %add3A = arith.addf %get3A_6, %get3A_11 : vector<5000x128xf32>
    %mul3A = arith.mulf %get3A_1, %add3A : vector<5000x128xf32>
    %get3A_12 = arith.constant 0 : index
    %get3A_13 = arith.constant 0 : index
    %get3A_14 = vector.load %arg3[%get3A_12, %get3A_13] : memref<5000x128xf32, #tpu.memory_space<vmem>>, vector<5000x128xf32>
    %mul3A_15 = arith.constant 2.500000e-01 : f32
    %mul3A_16 = vector.broadcast %mul3A_15 : f32 to vector<5000x128xf32>
    %mul3A_17 = arith.mulf %mul3A, %mul3A_16 : vector<5000x128xf32>
    %add3A_18 = arith.addf %get3A_14, %mul3A_17 : vector<5000x128xf32>
    %swap3A = arith.constant 0 : index
    %swap3A_19 = arith.constant 0 : index
    %swap3A_20 = vector.load %arg4[%swap3A, %swap3A_19] : memref<5000x128xf32, #tpu.memory_space<vmem>>, vector<5000x128xf32>
    tpu.vector_store %arg4[%swap3A, %swap3A_19], %add3A_18 {strides = array<i32>} : memref<5000x128xf32, #tpu.memory_space<vmem>>, vector<5000x128xf32>,
    %get3A_21 = arith.constant 0 : index
    %get3A_22 = arith.constant 0 : index
    %get3A_23 = vector.load %arg2[%get3A_21, %get3A_22] : memref<5000x128xf32, #tpu.memory_space<vmem>>, vector<5000x128xf32>
    %mul3A_24 = arith.mulf %get3A_23, %mul3A : vector<5000x128xf32>
    %swap3A_25 = arith.constant 0 : index
    %swap3A_26 = arith.constant 0 : index
    %swap3A_27 = vector.load %arg5[%swap3A_25, %swap3A_26] : memref<5000x128xf32, #tpu.memory_space<vmem>>, vector<5000x128xf32>
    tpu.vector_store %arg5[%swap3A_25, %swap3A_26], %mul3A_24 {strides = array<i32>} : memref<5000x128xf32, #tpu.memory_space<vmem>>, vector<5000x128xf32>,
    return
  }
  func.func @transform_0(%arg0: i32) -> (i32, i32, i32) {
    %c0_i32 = arith.constant 0 : i32
    %c0_i32_0 = arith.constant 0 : i32
    %c0_i32_1 = arith.constant 0 : i32
    return %c0_i32, %arg0, %c0_i32_0 : i32, i32, i32
  }
  func.func @transform_1(%arg0: i32) -> (i32, i32) {
    %c0_i32 = arith.constant 0 : i32
    %c0_i32_0 = arith.constant 0 : i32
    return %arg0, %c0_i32 : i32, i32
  }
  func.func @transform_2(%arg0: i32) -> (i32, i32) {
    %c0_i32 = arith.constant 0 : i32
    %c0_i32_0 = arith.constant 0 : i32
    return %arg0, %c0_i32 : i32, i32
  }
  func.func @transform_3(%arg0: i32) -> (i32, i32) {
    %c0_i32 = arith.constant 0 : i32
    %c0_i32_0 = arith.constant 0 : i32
    return %arg0, %c0_i32 : i32, i32
  }
  func.func @transform_4(%arg0: i32) -> (i32, i32) {
    %c0_i32 = arith.constant 0 : i32
    %c0_i32_0 = arith.constant 0 : i32
    return %arg0, %c0_i32 : i32, i32
  }
}

</mosaic_0001>

<sc_bundles>
// kernel: closed_call.13.cloned.1.call-start
scs
__scs_entry_jumppad:
0x0: {  	(pc) =	sbr.rel $0x88, $3  }
0x1: {  	(tag) =	ssettag $0x0;
	lr =	simm.s32 $0x1  }
0x2: {  	[smem:$0x3F9F] =	sst lr;
	_ =	strace $0xD0000000  }
0x3: {  	_ = 	snop  }
0x4: {  	_ = 	snop  }
0x5: {  	_ = 	snop  }
0x6: {  	_ = 	snop  }
0x7: {  	_ = 	snop  }
__scs_overlays_trampoline_lowered:
0x8: {  	[smem:$0x3FAE] =	sst s0  }
0x9: {  	[smem:$0x3FAF] =	sst s1  }
0xa: {  	[smem:$0x3FB0] =	sst s2  }
0xb: {  	[smem:$0x3FB1] =	sst s3  }
0xc: {  	[smem:$0x3FB2] =	sst s4  }
0xd: {  	[smem:$0x3FB3] =	sst s5  }
0xe: {  	[smem:$0x3FB4] =	sst s6  }
0xf: {  	[smem:$0x3FB5] =	sst s7  }
0x10: {  	[smem:$0x3FB6] =	sst s8  }
0x11: {  	[smem:$0x3FB7] =	sst s9;
	s0 =	simm.s32 @!p0 $0x0  }
0x12: {  	s1 =	sld [smem:$0x3F9D];
	s0 =	simm.s32 @p0 $0x1  }
0x13: {  	[smem:$0x3FB8] =	sst s0;
	s0 =	simm.s32 @!p1 $0x0  }
0x14: {  	s2 =	sld [smem:$0x3F9C];
	s0 =	simm.s32 @p1 $0x1  }
0x15: {  	[smem:$0x3FB9] =	sst s0;
	s0 =	simm.s32 @!p2 $0x0  }
0x16: {  	s3 =	sld [smem:$0x3FDB];
	s0 =	simm.s32 @p2 $0x1  }
0x17: {  	s4 =	simm.s32 $0x1BF5;
	[smem:$0x3FBB] =	sst s0  }
0x18: {  	s0 =	sld [smem:$0x3F9E];
	_ =	swait.ge [sflag:s4], $0x0  }
0x19: {  	s7 =	sld [smem:$0x3F9F]  }
0x1a: {  	s8 =	sadd.s32 $0xFFFFE003, lr  }
0x1b: {  	s9 =	sadd.s32 $0xFFFFFEF7, lr;
	s5 =	simm.s32 $0xFFFFFFFF;
	p2 =	slt.u32 s8, $0xFFFFF086  }
0x1c: {  	p1 =	slt.u32 s9, $0xF7A;
	s5 =	simm.s32 @!p2 $0x0  }
0x1d: {  	s5 =	simm.s32 @p1 $0x1;
	p0 =	seq.s32 s7, s2  }
0x1e: {  	s7 =	smul.u32 @!p0 $0xF7A, s2;
	p2 =	seq.s32 @!p0 s5, $0x0  }
0x1f: {  	s9 =	smul.u32 $0xF7A, s1;
	s8 =	simm.s32 @!p0 $0x1BF5;
	p2 =	por !p2, p0  }
0x20: {  	[sflag:s8] =	ssyncset.s32 @!p0 $0xFFFFF086;
	s6 =	sadd.s32 @!p0 s3, s7;
	s7 =	simm.s32 @!p0 $0x108  }
0x21: {  	s3 =	sadd.s32 s3, s9;
	s6 =	sadd.s32 @!p0 $0x88, s6;
	s7 =	simm.s32 @p2 $0x1082  }
0x22: {  	[simem:s7], [sflag:s8] =	dma.local @!p0 [hbm:s6], $0xF7A  }
0x23: {  	s9 =	sor.u32 $0xD0000000, s2;
	s6 =	simm.s32 $0x108;
	_ =	swait.ge @!p0 [sflag:s8], $0x0  }
0x24: {  	s3 =	sadd.s32 $0x88, s3;
	s6 =	simm.s32 @!p1 $0x1082;
	[sflag:s4] =	ssyncset.s32 $0xFFFFF086  }
0x25: {  	[simem:s6], [sflag:s4] =	dma.local [hbm:s3], $0xF7A  }
0x26: {  	[smem:$0x3F9F] =	sst s1;
	(tag) =	ssettag s2;
	_ =	strace s9  }
0x27: {  	s1 =	sld [smem:$0x3FAF]  }
0x28: {  	s2 =	sld [smem:$0x3FB0]  }
0x29: {  	s4 =	sld [smem:$0x3FB2]  }
0x2a: {  	p0 =	seq.s32 s5, $0x0;
	s5 =	sld [smem:$0x3FB3]  }
0x2b: {  	s6 =	sld [smem:$0x3FB4]  }
0x2c: {  	s7 =	sld [smem:$0x3FB5]  }
0x2d: {  	s3 =	simm.s32 $0x108;
	s8 =	sld [smem:$0x3FB6]  }
0x2e: {  	s3 =	simm.s32 @!p0 $0x1082;
	s9 =	sld [smem:$0x3FB7]  }
0x2f: {  	lr =	sadd.s32 s0, s3;
	s0 =	sld [smem:$0x3FAE]  }
0x30: {  	s3 =	sld [smem:$0x3FB1]  }
0x31: {  	[smem:$0x3FBA] =	sst s10  }
0x32: {  	s10 =	sld [smem:$0x3FB8];
	_ =	sdelay $0x3  }
0x33: {  	p0 =	seq.s32 s10, $0x1;
	s10 =	sld [smem:$0x3FBA];
	_ =	sdelay $0x3  }
0x34: {  	[smem:$0x3FBA] =	sst s10  }
0x35: {  	s10 =	sld [smem:$0x3FB9];
	_ =	sdelay $0x3  }
0x36: {  	p1 =	seq.s32 s10, $0x1;
	s10 =	sld [smem:$0x3FBA];
	_ =	sdelay $0x3  }
0x37: {  	[smem:$0x3FBA] =	sst s10  }
0x38: {  	s10 =	sld [smem:$0x3FBB]  }
0x39: {  	_ = 	snop;
	(pc) =	sbr.ind lr, $3  }
0x3a: {  	_ = 	snop  }
0x3b: {  	_ = 	snop  }
0x3c: {  	p2 =	seq.s32 s10, $0x1;
	s10 =	sld [smem:$0x3FBA]  }
0x3d: {  	_ =	shalt  }
0x3e: {  	_ =	shalt  }
0x3f: {  	_ =	shalt  }
0x40: {  	_ =	shalt  }
0x41: {  	_ =	shalt  }
0x42: {  	_ =	shalt  }
0x43: {  	_ =	shalt  }
0x44: {  	_ =	shalt  }
0x45: {  	_ =	shalt  }
0x46: {  	_ =	shalt  }
0x47: {  	_ =	shalt  }
0x48: {  	_ =	shalt  }
0x49: {  	_ =	shalt  }
0x4a: {  	_ =	shalt  }
0x4b: {  	_ =	shalt  }
0x4c: {  	_ =	shalt  }
0x4d: {  	_ =	shalt  }
0x4e: {  	_ =	shalt  }
0x4f: {  	_ =	shalt  }
0x50: {  	_ =	shalt  }
0x51: {  	_ =	shalt  }
0x52: {  	_ =	shalt  }
0x53: {  	_ =	shalt  }
0x54: {  	_ =	shalt  }
0x55: {  	_ =	shalt  }
0x56: {  	_ =	shalt  }
0x57: {  	_ =	shalt  }
0x58: {  	_ =	shalt  }
0x59: {  	_ =	shalt  }
0x5a: {  	_ =	shalt  }
0x5b: {  	_ =	shalt  }
0x5c: {  	_ =	shalt  }
0x5d: {  	_ =	shalt  }
0x5e: {  	_ =	shalt  }
0x5f: {  	_ =	shalt  }
0x60: {  	_ =	shalt  }
0x61: {  	_ =	shalt  }
0x62: {  	_ =	shalt  }
0x63: {  	_ =	shalt  }
0x64: {  	_ =	shalt  }
0x65: {  	_ =	shalt  }
0x66: {  	_ =	shalt  }
0x67: {  	_ =	shalt  }
0x68: {  	_ =	shalt  }
0x69: {  	_ =	shalt  }
0x6a: {  	_ =	shalt  }
0x6b: {  	_ =	shalt  }
0x6c: {  	_ =	shalt  }
0x6d: {  	_ =	shalt  }
0x6e: {  	_ =	shalt  }
0x6f: {  	_ =	shalt  }
0x70: {  	_ =	shalt  }
0x71: {  	_ =	shalt  }
0x72: {  	_ =	shalt  }
0x73: {  	_ =	shalt  }
0x74: {  	_ =	shalt  }
0x75: {  	_ =	shalt  }
0x76: {  	_ =	shalt  }
0x77: {  	_ =	shalt  }
0x78: {  	_ =	shalt  }
0x79: {  	_ =	shalt  }
0x7a: {  	_ =	shalt  }
0x7b: {  	_ =	shalt  }
0x7c: {  	_ =	shalt  }
0x7d: {  	_ =	shalt  }
0x7e: {  	_ =	shalt  }
0x7f: {  	_ =	shalt  }
0x80: {  	_ =	shalt  }
0x81: {  	_ =	shalt  }
0x82: {  	_ =	shalt  }
0x83: {  	_ =	shalt  }
0x84: {  	_ =	shalt  }
0x85: {  	_ =	shalt  }
0x86: {  	_ =	shalt  }
0x87: {  	_ =	shalt  }
.Lfunc_end0:
.L_simem_size_0:
called_computation_lowered:
.L_overlay_start_0:
0x88: {  	s2 =	sld [smem:$0x3FD9]  }
0x89: {  	s3 =	sld [smem:$0x3FFE];
	_ =	sdelay $0x1  }
0x8a: {  	s1 =	srdreg.scid  }
0x8b: {  	s0 =	sand.u32 $0x1, s1  }
0x8c: {  	s17 =	sshll.u32 s0, $0xA;
	s2 =	sadd.s32 s3, s2  }
0x8d: {  	s2 =	sadd.s32 s2, s17  }
0x8e: {  	[smem:$0x3FC6] =	sst s2  }
0x8f: {  	_ = 	snop  }
0x90: {  	s2 =	sld [smem:$0x3FD0];
	(tm) =	ssettm $0x1  }
0x91: {  	s18 =	sld [smem:$0x3FFB];
	_ =	sdelay $0x3  }
0x92: {  	_ =	strace s18  }
0x93: {  	s3 =	sld [smem:$0x3FFC];
	_ =	sdelay $0x3  }
0x94: {  	_ =	strace s3  }
0x95: {  	s3 =	sld [smem:$0x3FFD];
	_ =	sdelay $0x3  }
0x96: {  	_ =	strace s3  }
0x97: {  	_ =	strace $0x8FFFFFFF  }
0x98: {  	s19 =	sld [smem:$0x3FDB];
	_ =	sdelay $0x1  }
0x99: {  	s4 =	simm.s32 $_scs_section_size  }
0x9a: {  	s5 =	simm.s32 $_size__tile_overlayer_lowered;
	s6 =	simm.s32 $_tile_overlayer_lowered  }
0x9b: {  	s22 =	simm.s32 $0x1BFF;
	s21 =	sshll.u32 s6, $0x1;
	s3 =	sadd.s32 s4, s19  }
0x9c: {  	s7 =	simm.s32 $0x0;
	s20 =	sshll.u32 s5, $0x1;
	s5 =	sadd.s32 s21, s3  }
0x9d: {  	[timem:s7], [sflag:s22] =	dma.local [hbm:s5], s20  }
0x9e: {  	_ =	swait.ge [sflag:s22], s20  }
0x9f: {  	s4 =	ssub.s32 $0x0, s20;
	[sflag:s22] =	ssyncset.done $0x0  }
0xa0: {  	[sflag:s22] =	ssyncadd.s32 s4;
	_ =	sdelay $0x1  }
0xa1: {  	s23 =	simm.s32 $0x1B8B  }
0xa2: {  	_ =	swait.ge [sflag:s23], $0x1  }
0xa3: {  	[sflag:s23] =	ssyncset.done $0x0  }
0xa4: {  	s25 =	simm.s32 $0x1B8E;
	s24 =	sld [smem:$0x3FFE];
	[sflag:s23] =	ssyncadd.s32 $0xFFFFFFFF  }
0xa5: {  	s26 =	simm.s32 $execute0_lowered;
	[smem:$0x3FD2] =	sst s25  }
0xa6: {  	s5 =	sshll.u32 s26, $0x1;
	_ =	strace $0x80000049;
	[dreg:$0x1] =	wrdreg $0xFFFFFFFF  }
0xa7: {  	s28 =	simm.s32 $_size_execute0_lowered;
	s3 =	sadd.s32 s3, s5;
	[dreg:$0x0] =	wrdreg $0x0  }
0xa8: {  	s5 =	sshll.u32 s28, $0x1;
	[dreg:$0x2] =	wrdreg s3  }
0xa9: {  	[dreg:$0x3] =	wrdreg s5  }
0xaa: {  	[dreg:$0x4] =	wrdreg $0xC0  }
0xab: {  	_ =	task [dreg:s7], $0x5FFFF  }
0xac: {  	[dreg:$0x1] =	wrdreg $0xFFFFFFFF  }
0xad: {  	[dreg:$0x0] =	wrdreg $0x60  }
0xae: {  	[dreg:$0x2] =	wrdreg s2  }
0xaf: {  	[dreg:$0x3] =	wrdreg s24  }
0xb0: {  	[dreg:$0x4] =	wrdreg $0x70000  }
0xb1: {  	[dreg:$0x5] =	wrdreg $0x9  }
0xb2: {  	_ =	task.clear_ibuf [dreg:s7], $0x6FFFF;
	_ =	strace $0x90000049  }
0xb3: {  	s29 =	simm.s32 $0x9;
	_ =	strace $0x8000004B  }
0xb4: {  	_ =	swait.ge [sflag:s29], $0x1  }
0xb5: {  	[sflag:s29] =	ssyncadd.s32 $0xFFFFFFFF  }
0xb6: {  	_ =	strace $0x9000004B  }
0xb7: {  	_ =	sfence  }
0xb8: {  	s30 =	sld [smem:$0x0];
	_ =	sdelay $0x2  }
0xb9: {  	s31 =	sshll.u32 s1, $0xD;
	s1 =	sshrl.u32 s1, $0x2  }
0xba: {  	s3 =	sand.u32 $0x4000, s31;
	s1 =	sadd.s32 s1, s30  }
0xbb: {  	s0 =	sor.u32 s3, s0;
	s1 =	sshll.u32 s1, $0x11  }
0xbc: {  	s0 =	sor.u32 s1, s0  }
0xbd: {  	s0 =	sadd.s32 $0x8F2B, s0  }
0xbe: {  	[sflag:s0] =	ssyncadd.remote.s32 $0x1  }
0xbf: {  	_ =	sfence.sel $0xFFFF  }
0xc0: {  	[dreg:$0x0] =	wrdreg $0xFFFFFFFF;
	(pc) =	sbr.abs _section_cstart, $3  }
0xc1: {  	[dreg:$0x1] =	wrdreg $0xFFFFFFFF  }
0xc2: {  	_ =	task.clear_ibuf [dreg:s7], $0x2FFFF;
	_ =	strace $0x9FFFFFFF  }
0xc3: {  	(tm) =	ssettm $0x7FFFFFFF  }
tec
execute0_lowered:
.L_overlay_start_1:
0x0: {  	(tag) =	ssettag $0x1  }
0x1: {  	s1 =	rddreg [dreg:$0x0]  }
0x2: {  	s0 =	rddreg [dreg:$0x1]  }
0x3: {  	s2 =	rddreg [dreg:$0x2];
	s3 =	srdreg.scid  }
0x4: {  	s4 =	simm.s32 $0x0;
	s21 =	stileid.u32;
	s20 =	simm.s32 $0x4  }
0x5: {  	s28 =	simm.s32 $0x2;
	s29 =	simm.s32 $0x1C00;
	s30 =	simm.s32 $0x0  }
0x6: {  	s6 =	sand.u32 $0x1, s3;
	[smem:$0x7FF] =	sst s4;
	s7 =	smul.u32 $0x14000, s21  }
0x7: {  	s15 =	sadd.s32 $0x15800, s0;
	s16 =	sadd.s32 $0x1800, s0;
	s22 =	sadd.s32 $0x29800, s0  }
0x8: {  	s8 =	sshll.u32 s21, $0x1;
	s23 =	smul.u32 $0x50000, s21;
	s26 =	sshll.u32 s21, $0x6  }
0x9: {  	s21 =	simm.s32 $0x1000;
	s5 =	smul.u32 $0x140000, s6;
	_ =	strace $0x8000004A  }
0xa: {  	[dreg:$0x4] =	wrdreg s22;
	s9 =	ssub.s32 $0x2, s6;
	s6 =	sor.u32 s6, s8  }
0xb: {  	s22 =	simm.s32 $0x3;
	s24 =	sshrl.u32 s9, $0x1;
	s10 =	smul.u32 $0x5000, s6  }
0xc: {  	s25 =	sshrl.u32 s23, $0x2;
	s6 =	sor.u32 $0x1C04, s26;
	s23 =	simm.s32 $0x50  }
0xd: {  	s26 =	simm.s32 $0x1;
	s7 =	sadd.s32 s7, s5;
	s18 =	ssub.s32 s9, s24  }
0xe: {  	s19 =	sadd.s32 s25, s2;
	s24 =	simm.s32 $0x2000;
	s25 =	simm.s32 $0x4800  }
0xf: {  	s7 =	sshrl.u32 s7, $0x3;
	s17 =	sshrl.u32 s10, $0x3;
	s18 =	smax.u32 s18, $0x1  }
0x10: {  	s19 =	sshrl.u32 s19, $0x3;
	s0 =	sadd.s32 s7, s0;
	s31 =	sadd.s32 s15, s17  }
0x11: {  	s8 =	sadd.s32 s16, s17;
	s10 =	sadd.s32 $0x200, s17;
	s12 =	sadd.s32 $0x400, s17  }
0x12: {  	s14 =	sadd.s32 $0x600, s17;
	s17 =	sadd.s32 $0x800, s17;
	[dreg:$0x5] =	wrdreg s31  }
0x13: {  	s9 =	sadd.s32 s15, s10;
	s10 =	sadd.s32 s16, s10;
	s11 =	sadd.s32 s15, s12  }
0x14: {  	s12 =	sadd.s32 s16, s12;
	s13 =	sadd.s32 s15, s14;
	s14 =	sadd.s32 s16, s14  }
0x15: {  	s15 =	sadd.s32 s15, s17;
	s16 =	sadd.s32 s16, s17;
	s17 =	sadd.s32 $0x66000, s0  }
.LBB2_1:
0x16: {  	s0 =	rddreg [dreg:$0x4]  }
0x17: {  	[spmem:s19], [sflag:s6] =	dma.local [hbm:s0], $0x2800  }
0x18: {  	_ =	swait.ge [sflag:s20], $0x2800  }
0x19: {  	[sflag:s20] =	ssyncset.done $0x0  }
0x1a: {  	[sflag:s20] =	ssyncadd.s32 $0xFFFFD800  }
0x1b: {  	[bflag:$0x0] =	sbarrier.arrive $0xFFFF  }
0x1c: {  	s5 =	rddreg [dreg:$0x5]  }
0x1d: {  	[tilespmem:s4], [sflag:$0x3] =	stream.linear.gather [hbm4b:s5+s4], $0xC80, $0x38;
	[tilespmem:$0x1B000] =	vst v63  }
0x1e: {  	_ = 	snop  }
0x1f: {  	[tilespmem:s21], [sflag:$0x3] =	stream.linear.gather [hbm4b:s8+s4], $0xC80, $0x38;
	[tilespmem:$0x1B000] =	vst v63  }
0x20: {  	_ =	swait.ge [sflag:s22], $0xC80  }
0x21: {  	[sflag:s22] =	ssyncset.done $0x0  }
0x22: {  	[sflag:s22] =	ssyncadd.s32 $0xFFFFF380  }
0x23: {  	_ =	swait.ge [sflag:s22], $0xC80  }
0x24: {  	[sflag:s22] =	ssyncset.done $0x0  }
0x25: {  	[sflag:s22] =	ssyncadd.s32 $0xFFFFF380  }
0x26: {  	[tilespmem:s24], [sflag:$0x1] =	stream.indirect.gather [hbm4b:s1+s23], $0x80, s4, s23, $0xb8;
	[tilespmem:$0x1B000] =	vst v63  }
0x27: {  	s7 =	simm.s32 $0x80  }
0x28: {  	[tilespmem:s25], [sflag:$0x2] =	stream.indirect.gather [hbm4b:s1+s23], $0x80, s7, s23, $0xb8;
	[tilespmem:$0x1B000] =	vst v63  }
0x29: {  	_ =	swait.ge [sflag:s26], $0x2800  }
0x2a: {  	[sflag:s26] =	ssyncset.done $0x0  }
0x2b: {  	s3 =	simm.s32 $0x1000;
	[sflag:s26] =	ssyncadd.s32 $0xFFFFD800  }
0x2c: {  	[spmem:s2] =	stream.indirect.scatter.add.f32 [tilespmem:s24], [sflag:$0x4], $0x80, s3, s23, $0xb8;
	[tilespmem:$0x1B000] =	vst v63  }
0x2d: {  	_ =	swait.ge [sflag:s20], $0x2800  }
0x2e: {  	[sflag:s20] =	ssyncset.done $0x0  }
0x2f: {  	s5 =	simm.s32 $0x100;
	[sflag:s20] =	ssyncadd.s32 $0xFFFFD800  }
0x30: {  	[tilespmem:s24], [sflag:$0x1] =	stream.indirect.gather [hbm4b:s1+s23], $0x80, s5, s23, $0xb8;
	[tilespmem:$0x1B000] =	vst v63  }
0x31: {  	_ =	swait.ge [sflag:s28], $0x2800  }
0x32: {  	[sflag:s28] =	ssyncset.done $0x0  }
0x33: {  	s7 =	simm.s32 $0x1080;
	[sflag:s28] =	ssyncadd.s32 $0xFFFFD800  }
0x34: {  	[spmem:s2] =	stream.indirect.scatter.add.f32 [tilespmem:s25], [sflag:$0x4], $0x80, s7, s23, $0xb8;
	[tilespmem:$0x1B000] =	vst v63  }
0x35: {  	_ =	swait.ge [sflag:s20], $0x2800  }
0x36: {  	s31 =	simm.s32 $0x100;
	s0 =	simm.s32 $0x800;
	[sflag:s20] =	ssyncset.done $0x0  }
.LBB2_2:
0x37: {  	s3 =	sadd.s32 $0x80, s31  }
0x38: {  	[sflag:s20] =	ssyncadd.s32 $0xFFFFD800;
	s5 =	smov.u32 s0;
	s7 =	sadd.s32 $0x400, s0  }
0x39: {  	[tilespmem:s25], [sflag:$0x2] =	stream.indirect.gather [hbm4b:s1+s23], $0x80, s3, s23, $0xb8;
	[tilespmem:$0x1B000] =	vst v63  }
0x3a: {  	p0 =	sne.s32 s0, $0x2C00;
	_ =	swait.ge [sflag:s26], $0x2800  }
0x3b: {  	[sflag:s26] =	ssyncset.done $0x0  }
0x3c: {  	s0 =	sadd.s32 $0x1000, s31;
	[sflag:s26] =	ssyncadd.s32 $0xFFFFD800  }
0x3d: {  	[spmem:s2] =	stream.indirect.scatter.add.f32 [tilespmem:s24], [sflag:$0x4], $0x80, s0, s23, $0xb8;
	[tilespmem:$0x1B000] =	vst v63  }
0x3e: {  	_ =	swait.ge [sflag:s20], $0x2800  }
0x3f: {  	[sflag:s20] =	ssyncset.done $0x0  }
0x40: {  	s0 =	sadd.s32 $0x100, s31;
	[sflag:s20] =	ssyncadd.s32 $0xFFFFD800  }
0x41: {  	[tilespmem:s24], [sflag:$0x1] =	stream.indirect.gather [hbm4b:s1+s23], $0x80, s0, s23, $0xb8;
	[tilespmem:$0x1B000] =	vst v63  }
0x42: {  	_ =	swait.ge [sflag:s28], $0x2800  }
.Ltmp0:
0x43: {  	[sflag:s28] =	ssyncset.done $0x0;
	(pc) =	sbr.rel @p0 .LBB2_2-.Ltmp0, $4  }
0x44: {  	s0 =	sadd.s32 $0x1080, s31;
	[sflag:s28] =	ssyncadd.s32 $0xFFFFD800  }
0x45: {  	[spmem:s2] =	stream.indirect.scatter.add.f32 [tilespmem:s25], [sflag:$0x4], $0x80, s0, s23, $0xb8;
	[tilespmem:$0x1B000] =	vst v63  }
0x46: {  	_ =	swait.ge [sflag:s20], $0x2800  }
0x47: {  	s31 =	sshra.s32 s5, $0x2;
	s0 =	smov.u32 s7;
	[sflag:s20] =	ssyncset.done $0x0  }
0x48: {  	s0 =	sadd.s32 $0x80, s31;
	[sflag:s20] =	ssyncadd.s32 $0xFFFFD800  }
0x49: {  	[tilespmem:s25], [sflag:$0x2] =	stream.indirect.gather [hbm4b:s1+s23], $0x80, s0, s23, $0xb8;
	[tilespmem:$0x1B000] =	vst v63  }
0x4a: {  	_ =	swait.ge [sflag:s26], $0x2800  }
0x4b: {  	[sflag:s26] =	ssyncset.done $0x0  }
0x4c: {  	s5 =	sadd.s32 $0x1000, s31;
	[sflag:s26] =	ssyncadd.s32 $0xFFFFD800  }
0x4d: {  	[spmem:s2] =	stream.indirect.scatter.add.f32 [tilespmem:s24], [sflag:$0x4], $0x80, s5, s23, $0xb8;
	[tilespmem:$0x1B000] =	vst v63  }
0x4e: {  	_ =	swait.ge [sflag:s20], $0x2800  }
0x4f: {  	[sflag:s20] =	ssyncset.done $0x0  }
0x50: {  	s7 =	sadd.s32 $0x100, s31;
	[sflag:s20] =	ssyncadd.s32 $0xFFFFD800  }
0x51: {  	[tilespmem:s24], [sflag:$0x1] =	stream.indirect.gather [hbm4b:s1+s23], $0x80, s7, s23, $0xb8;
	[tilespmem:$0x1B000] =	vst v63  }
0x52: {  	_ =	swait.ge [sflag:s28], $0x2800  }
0x53: {  	[sflag:s28] =	ssyncset.done $0x0  }
0x54: {  	s3 =	sadd.s32 $0x1080, s31;
	[sflag:s28] =	ssyncadd.s32 $0xFFFFD800  }
0x55: {  	[spmem:s2] =	stream.indirect.scatter.add.f32 [tilespmem:s25], [sflag:$0x4], $0x80, s3, s23, $0xb8;
	[tilespmem:$0x1B000] =	vst v63  }
0x56: {  	_ =	swait.ge [sflag:s20], $0x2800  }
0x57: {  	[sflag:s20] =	ssyncset.done $0x0  }
0x58: {  	[sflag:s20] =	ssyncadd.s32 $0xFFFFD800  }
0x59: {  	_ =	swait.ge [sflag:s26], $0x2800  }
0x5a: {  	[sflag:s26] =	ssyncset.done $0x0  }
0x5b: {  	[sflag:s26] =	ssyncadd.s32 $0xFFFFD800  }
0x5c: {  	[spmem:s2] =	stream.indirect.scatter.add.f32 [tilespmem:s24], [sflag:$0x4], $0x80, s29, s23, $0xb8;
	[tilespmem:$0x1B000] =	vst v63  }
0x5d: {  	_ =	swait.ge [sflag:s20], $0x2800  }
0x5e: {  	[sflag:s20] =	ssyncset.done $0x0  }
0x5f: {  	s5 =	simm.s32 $0x0;
	[sflag:s20] =	ssyncadd.s32 $0xFFFFD800  }
0x60: {  	[tilespmem:s5], [sflag:$0x3] =	stream.linear.gather [hbm4b:s9+s5], $0xC80, $0x38;
	[tilespmem:$0x1B000] =	vst v63  }
0x61: {  	_ = 	snop  }
0x62: {  	[tilespmem:s21], [sflag:$0x3] =	stream.linear.gather [hbm4b:s10+s5], $0xC80, $0x38;
	[tilespmem:$0x1B000] =	vst v63  }
0x63: {  	_ =	swait.ge [sflag:s22], $0xC80  }
0x64: {  	[sflag:s22] =	ssyncset.done $0x0  }
0x65: {  	[sflag:s22] =	ssyncadd.s32 $0xFFFFF380  }
0x66: {  	_ =	swait.ge [sflag:s22], $0xC80  }
0x67: {  	[sflag:s22] =	ssyncset.done $0x0  }
0x68: {  	[sflag:s22] =	ssyncadd.s32 $0xFFFFF380  }
0x69: {  	[tilespmem:s24], [sflag:$0x1] =	stream.indirect.gather [hbm4b:s1+s23], $0x80, s5, s23, $0xb8;
	[tilespmem:$0x1B000] =	vst v63  }
0x6a: {  	s7 =	simm.s32 $0x80  }
0x6b: {  	[tilespmem:s25], [sflag:$0x2] =	stream.indirect.gather [hbm4b:s1+s23], $0x80, s7, s23, $0xb8;
	[tilespmem:$0x1B000] =	vst v63  }
0x6c: {  	_ =	swait.ge [sflag:s26], $0x2800  }
0x6d: {  	[sflag:s26] =	ssyncset.done $0x0  }
0x6e: {  	s3 =	simm.s32 $0x1000;
	[sflag:s26] =	ssyncadd.s32 $0xFFFFD800  }
0x6f: {  	[spmem:s2] =	stream.indirect.scatter.add.f32 [tilespmem:s24], [sflag:$0x4], $0x80, s3, s23, $0xb8;
	[tilespmem:$0x1B000] =	vst v63  }
0x70: {  	_ =	swait.ge [sflag:s20], $0x2800  }
0x71: {  	[sflag:s20] =	ssyncset.done $0x0  }
0x72: {  	s5 =	simm.s32 $0x100;
	[sflag:s20] =	ssyncadd.s32 $0xFFFFD800  }
0x73: {  	[tilespmem:s24], [sflag:$0x1] =	stream.indirect.gather [hbm4b:s1+s23], $0x80, s5, s23, $0xb8;
	[tilespmem:$0x1B000] =	vst v63  }
0x74: {  	_ =	swait.ge [sflag:s28], $0x2800  }
0x75: {  	[sflag:s28] =	ssyncset.done $0x0  }
0x76: {  	s7 =	simm.s32 $0x1080;
	[sflag:s28] =	ssyncadd.s32 $0xFFFFD800  }
0x77: {  	[spmem:s2] =	stream.indirect.scatter.add.f32 [tilespmem:s25], [sflag:$0x4], $0x80, s7, s23, $0xb8;
	[tilespmem:$0x1B000] =	vst v63  }
0x78: {  	_ =	swait.ge [sflag:s20], $0x2800  }
0x79: {  	s31 =	simm.s32 $0x100;
	s0 =	simm.s32 $0x800;
	[sflag:s20] =	ssyncset.done $0x0  }
.LBB2_4:
0x7a: {  	s3 =	sadd.s32 $0x80, s31  }
0x7b: {  	[sflag:s20] =	ssyncadd.s32 $0xFFFFD800;
	s5 =	smov.u32 s0;
	s7 =	sadd.s32 $0x400, s0  }
0x7c: {  	[tilespmem:s25], [sflag:$0x2] =	stream.indirect.gather [hbm4b:s1+s23], $0x80, s3, s23, $0xb8;
	[tilespmem:$0x1B000] =	vst v63  }
0x7d: {  	p0 =	sne.s32 s0, $0x2C00;
	_ =	swait.ge [sflag:s26], $0x2800  }
0x7e: {  	[sflag:s26] =	ssyncset.done $0x0  }
0x7f: {  	s0 =	sadd.s32 $0x1000, s31;
	[sflag:s26] =	ssyncadd.s32 $0xFFFFD800  }
0x80: {  	[spmem:s2] =	stream.indirect.scatter.add.f32 [tilespmem:s24], [sflag:$0x4], $0x80, s0, s23, $0xb8;
	[tilespmem:$0x1B000] =	vst v63  }
0x81: {  	_ =	swait.ge [sflag:s20], $0x2800  }
0x82: {  	[sflag:s20] =	ssyncset.done $0x0  }
0x83: {  	s0 =	sadd.s32 $0x100, s31;
	[sflag:s20] =	ssyncadd.s32 $0xFFFFD800  }
0x84: {  	[tilespmem:s24], [sflag:$0x1] =	stream.indirect.gather [hbm4b:s1+s23], $0x80, s0, s23, $0xb8;
	[tilespmem:$0x1B000] =	vst v63  }
0x85: {  	_ =	swait.ge [sflag:s28], $0x2800  }
.Ltmp1:
0x86: {  	[sflag:s28] =	ssyncset.done $0x0;
	(pc) =	sbr.rel @p0 .LBB2_4-.Ltmp1, $4  }
0x87: {  	s0 =	sadd.s32 $0x1080, s31;
	[sflag:s28] =	ssyncadd.s32 $0xFFFFD800  }
0x88: {  	[spmem:s2] =	stream.indirect.scatter.add.f32 [tilespmem:s25], [sflag:$0x4], $0x80, s0, s23, $0xb8;
	[tilespmem:$0x1B000] =	vst v63  }
0x89: {  	_ =	swait.ge [sflag:s20], $0x2800  }
0x8a: {  	s31 =	sshra.s32 s5, $0x2;
	s0 =	smov.u32 s7;
	[sflag:s20] =	ssyncset.done $0x0  }
0x8b: {  	s0 =	sadd.s32 $0x80, s31;
	[sflag:s20] =	ssyncadd.s32 $0xFFFFD800  }
0x8c: {  	[tilespmem:s25], [sflag:$0x2] =	stream.indirect.gather [hbm4b:s1+s23], $0x80, s0, s23, $0xb8;
	[tilespmem:$0x1B000] =	vst v63  }
0x8d: {  	_ =	swait.ge [sflag:s26], $0x2800  }
0x8e: {  	[sflag:s26] =	ssyncset.done $0x0  }
0x8f: {  	s5 =	sadd.s32 $0x1000, s31;
	[sflag:s26] =	ssyncadd.s32 $0xFFFFD800  }
0x90: {  	[spmem:s2] =	stream.indirect.scatter.add.f32 [tilespmem:s24], [sflag:$0x4], $0x80, s5, s23, $0xb8;
	[tilespmem:$0x1B000] =	vst v63  }
0x91: {  	_ =	swait.ge [sflag:s20], $0x2800  }
0x92: {  	[sflag:s20] =	ssyncset.done $0x0  }
0x93: {  	s7 =	sadd.s32 $0x100, s31;
	[sflag:s20] =	ssyncadd.s32 $0xFFFFD800  }
0x94: {  	[tilespmem:s24], [sflag:$0x1] =	stream.indirect.gather [hbm4b:s1+s23], $0x80, s7, s23, $0xb8;
	[tilespmem:$0x1B000] =	vst v63  }
0x95: {  	_ =	swait.ge [sflag:s28], $0x2800  }
0x96: {  	[sflag:s28] =	ssyncset.done $0x0  }
0x97: {  	s3 =	sadd.s32 $0x1080, s31;
	[sflag:s28] =	ssyncadd.s32 $0xFFFFD800  }
0x98: {  	[spmem:s2] =	stream.indirect.scatter.add.f32 [tilespmem:s25], [sflag:$0x4], $0x80, s3, s23, $0xb8;
	[tilespmem:$0x1B000] =	vst v63  }
0x99: {  	_ =	swait.ge [sflag:s20], $0x2800  }
0x9a: {  	[sflag:s20] =	ssyncset.done $0x0  }
0x9b: {  	[sflag:s20] =	ssyncadd.s32 $0xFFFFD800  }
0x9c: {  	_ =	swait.ge [sflag:s26], $0x2800  }
0x9d: {  	[sflag:s26] =	ssyncset.done $0x0  }
0x9e: {  	[sflag:s26] =	ssyncadd.s32 $0xFFFFD800  }
0x9f: {  	[spmem:s2] =	stream.indirect.scatter.add.f32 [tilespmem:s24], [sflag:$0x4], $0x80, s29, s23, $0xb8;
	[tilespmem:$0x1B000] =	vst v63  }
0xa0: {  	_ =	swait.ge [sflag:s20], $0x2800  }
0xa1: {  	[sflag:s20] =	ssyncset.done $0x0  }
0xa2: {  	s5 =	simm.s32 $0x0;
	[sflag:s20] =	ssyncadd.s32 $0xFFFFD800  }
0xa3: {  	[tilespmem:s5], [sflag:$0x3] =	stream.linear.gather [hbm4b:s11+s5], $0xC80, $0x38;
	[tilespmem:$0x1B000] =	vst v63  }
0xa4: {  	_ = 	snop  }
0xa5: {  	[tilespmem:s21], [sflag:$0x3] =	stream.linear.gather [hbm4b:s12+s5], $0xC80, $0x38;
	[tilespmem:$0x1B000] =	vst v63  }
0xa6: {  	_ =	swait.ge [sflag:s22], $0xC80  }
0xa7: {  	[sflag:s22] =	ssyncset.done $0x0  }
0xa8: {  	[sflag:s22] =	ssyncadd.s32 $0xFFFFF380  }
0xa9: {  	_ =	swait.ge [sflag:s22], $0xC80  }
0xaa: {  	[sflag:s22] =	ssyncset.done $0x0  }
0xab: {  	[sflag:s22] =	ssyncadd.s32 $0xFFFFF380  }
0xac: {  	[tilespmem:s24], [sflag:$0x1] =	stream.indirect.gather [hbm4b:s1+s23], $0x80, s5, s23, $0xb8;
	[tilespmem:$0x1B000] =	vst v63  }
0xad: {  	s7 =	simm.s32 $0x80  }
0xae: {  	[tilespmem:s25], [sflag:$0x2] =	stream.indirect.gather [hbm4b:s1+s23], $0x80, s7, s23, $0xb8;
	[tilespmem:$0x1B000] =	vst v63  }
0xaf: {  	_ =	swait.ge [sflag:s26], $0x2800  }
0xb0: {  	[sflag:s26] =	ssyncset.done $0x0  }
0xb1: {  	s3 =	simm.s32 $0x1000;
	[sflag:s26] =	ssyncadd.s32 $0xFFFFD800  }
0xb2: {  	[spmem:s2] =	stream.indirect.scatter.add.f32 [tilespmem:s24], [sflag:$0x4], $0x80, s3, s23, $0xb8;
	[tilespmem:$0x1B000] =	vst v63  }
0xb3: {  	_ =	swait.ge [sflag:s20], $0x2800  }
0xb4: {  	[sflag:s20] =	ssyncset.done $0x0  }
0xb5: {  	s5 =	simm.s32 $0x100;
	[sflag:s20] =	ssyncadd.s32 $0xFFFFD800  }
0xb6: {  	[tilespmem:s24], [sflag:$0x1] =	stream.indirect.gather [hbm4b:s1+s23], $0x80, s5, s23, $0xb8;
	[tilespmem:$0x1B000] =	vst v63  }
0xb7: {  	_ =	swait.ge [sflag:s28], $0x2800  }
0xb8: {  	[sflag:s28] =	ssyncset.done $0x0  }
0xb9: {  	s7 =	simm.s32 $0x1080;
	[sflag:s28] =	ssyncadd.s32 $0xFFFFD800  }
0xba: {  	[spmem:s2] =	stream.indirect.scatter.add.f32 [tilespmem:s25], [sflag:$0x4], $0x80, s7, s23, $0xb8;
	[tilespmem:$0x1B000] =	vst v63  }
0xbb: {  	_ =	swait.ge [sflag:s20], $0x2800  }
0xbc: {  	s31 =	simm.s32 $0x100;
	s0 =	simm.s32 $0x800;
	[sflag:s20] =	ssyncset.done $0x0  }
.LBB2_6:
0xbd: {  	s3 =	sadd.s32 $0x80, s31  }
0xbe: {  	[sflag:s20] =	ssyncadd.s32 $0xFFFFD800;
	s5 =	smov.u32 s0;
	s7 =	sadd.s32 $0x400, s0  }
0xbf: {  	[tilespmem:s25], [sflag:$0x2] =	stream.indirect.gather [hbm4b:s1+s23], $0x80, s3, s23, $0xb8;
	[tilespmem:$0x1B000] =	vst v63  }
0xc0: {  	p0 =	sne.s32 s0, $0x2C00;
	_ =	swait.ge [sflag:s26], $0x2800  }
0xc1: {  	[sflag:s26] =	ssyncset.done $0x0  }
0xc2: {  	s0 =	sadd.s32 $0x1000, s31;
	[sflag:s26] =	ssyncadd.s32 $0xFFFFD800  }
0xc3: {  	[spmem:s2] =	stream.indirect.scatter.add.f32 [tilespmem:s24], [sflag:$0x4], $0x80, s0, s23, $0xb8;
	[tilespmem:$0x1B000] =	vst v63  }
0xc4: {  	_ =	swait.ge [sflag:s20], $0x2800  }
0xc5: {  	[sflag:s20] =	ssyncset.done $0x0  }
0xc6: {  	s0 =	sadd.s32 $0x100, s31;
	[sflag:s20] =	ssyncadd.s32 $0xFFFFD800  }
0xc7: {  	[tilespmem:s24], [sflag:$0x1] =	stream.indirect.gather [hbm4b:s1+s23], $0x80, s0, s23, $0xb8;
	[tilespmem:$0x1B000] =	vst v63  }
0xc8: {  	_ =	swait.ge [sflag:s28], $0x2800  }
.Ltmp2:
0xc9: {  	[sflag:s28] =	ssyncset.done $0x0;
	(pc) =	sbr.rel @p0 .LBB2_6-.Ltmp2, $4  }
0xca: {  	s0 =	sadd.s32 $0x1080, s31;
	[sflag:s28] =	ssyncadd.s32 $0xFFFFD800  }
0xcb: {  	[spmem:s2] =	stream.indirect.scatter.add.f32 [tilespmem:s25], [sflag:$0x4], $0x80, s0, s23, $0xb8;
	[tilespmem:$0x1B000] =	vst v63  }
0xcc: {  	_ =	swait.ge [sflag:s20], $0x2800  }
0xcd: {  	s31 =	sshra.s32 s5, $0x2;
	s0 =	smov.u32 s7;
	[sflag:s20] =	ssyncset.done $0x0  }
0xce: {  	s0 =	sadd.s32 $0x80, s31;
	[sflag:s20] =	ssyncadd.s32 $0xFFFFD800  }
0xcf: {  	[tilespmem:s25], [sflag:$0x2] =	stream.indirect.gather [hbm4b:s1+s23], $0x80, s0, s23, $0xb8;
	[tilespmem:$0x1B000] =	vst v63  }
0xd0: {  	_ =	swait.ge [sflag:s26], $0x2800  }
0xd1: {  	[sflag:s26] =	ssyncset.done $0x0  }
0xd2: {  	s5 =	sadd.s32 $0x1000, s31;
	[sflag:s26] =	ssyncadd.s32 $0xFFFFD800  }
0xd3: {  	[spmem:s2] =	stream.indirect.scatter.add.f32 [tilespmem:s24], [sflag:$0x4], $0x80, s5, s23, $0xb8;
	[tilespmem:$0x1B000] =	vst v63  }
0xd4: {  	_ =	swait.ge [sflag:s20], $0x2800  }
0xd5: {  	[sflag:s20] =	ssyncset.done $0x0  }
0xd6: {  	s7 =	sadd.s32 $0x100, s31;
	[sflag:s20] =	ssyncadd.s32 $0xFFFFD800  }
0xd7: {  	[tilespmem:s24], [sflag:$0x1] =	stream.indirect.gather [hbm4b:s1+s23], $0x80, s7, s23, $0xb8;
	[tilespmem:$0x1B000] =	vst v63  }
0xd8: {  	_ =	swait.ge [sflag:s28], $0x2800  }
0xd9: {  	[sflag:s28] =	ssyncset.done $0x0  }
0xda: {  	s3 =	sadd.s32 $0x1080, s31;
	[sflag:s28] =	ssyncadd.s32 $0xFFFFD800  }
0xdb: {  	[spmem:s2] =	stream.indirect.scatter.add.f32 [tilespmem:s25], [sflag:$0x4], $0x80, s3, s23, $0xb8;
	[tilespmem:$0x1B000] =	vst v63  }
0xdc: {  	_ =	swait.ge [sflag:s20], $0x2800  }
0xdd: {  	[sflag:s20] =	ssyncset.done $0x0  }
0xde: {  	[sflag:s20] =	ssyncadd.s32 $0xFFFFD800  }
0xdf: {  	_ =	swait.ge [sflag:s26], $0x2800  }
0xe0: {  	[sflag:s26] =	ssyncset.done $0x0  }
0xe1: {  	[sflag:s26] =	ssyncadd.s32 $0xFFFFD800  }
0xe2: {  	[spmem:s2] =	stream.indirect.scatter.add.f32 [tilespmem:s24], [sflag:$0x4], $0x80, s29, s23, $0xb8;
	[tilespmem:$0x1B000] =	vst v63  }
0xe3: {  	_ =	swait.ge [sflag:s20], $0x2800  }
0xe4: {  	[sflag:s20] =	ssyncset.done $0x0  }
0xe5: {  	s5 =	simm.s32 $0x0;
	[sflag:s20] =	ssyncadd.s32 $0xFFFFD800  }
0xe6: {  	[tilespmem:s5], [sflag:$0x3] =	stream.linear.gather [hbm4b:s13+s5], $0xC80, $0x38;
	[tilespmem:$0x1B000] =	vst v63  }
0xe7: {  	_ = 	snop  }
0xe8: {  	[tilespmem:s21], [sflag:$0x3] =	stream.linear.gather [hbm4b:s14+s5], $0xC80, $0x38;
	[tilespmem:$0x1B000] =	vst v63  }
0xe9: {  	_ =	swait.ge [sflag:s22], $0xC80  }
0xea: {  	[sflag:s22] =	ssyncset.done $0x0  }
0xeb: {  	[sflag:s22] =	ssyncadd.s32 $0xFFFFF380  }
0xec: {  	_ =	swait.ge [sflag:s22], $0xC80  }
0xed: {  	[sflag:s22] =	ssyncset.done $0x0  }
0xee: {  	[sflag:s22] =	ssyncadd.s32 $0xFFFFF380  }
0xef: {  	[tilespmem:s24], [sflag:$0x1] =	stream.indirect.gather [hbm4b:s1+s23], $0x80, s5, s23, $0xb8;
	[tilespmem:$0x1B000] =	vst v63  }
0xf0: {  	s7 =	simm.s32 $0x80  }
0xf1: {  	[tilespmem:s25], [sflag:$0x2] =	stream.indirect.gather [hbm4b:s1+s23], $0x80, s7, s23, $0xb8;
	[tilespmem:$0x1B000] =	vst v63  }
0xf2: {  	_ =	swait.ge [sflag:s26], $0x2800  }
0xf3: {  	[sflag:s26] =	ssyncset.done $0x0  }
0xf4: {  	s3 =	simm.s32 $0x1000;
	[sflag:s26] =	ssyncadd.s32 $0xFFFFD800  }
0xf5: {  	[spmem:s2] =	stream.indirect.scatter.add.f32 [tilespmem:s24], [sflag:$0x4], $0x80, s3, s23, $0xb8;
	[tilespmem:$0x1B000] =	vst v63  }
0xf6: {  	_ =	swait.ge [sflag:s20], $0x2800  }
0xf7: {  	[sflag:s20] =	ssyncset.done $0x0  }
0xf8: {  	s5 =	simm.s32 $0x100;
	[sflag:s20] =	ssyncadd.s32 $0xFFFFD800  }
0xf9: {  	[tilespmem:s24], [sflag:$0x1] =	stream.indirect.gather [hbm4b:s1+s23], $0x80, s5, s23, $0xb8;
	[tilespmem:$0x1B000] =	vst v63  }
0xfa: {  	_ =	swait.ge [sflag:s28], $0x2800  }
0xfb: {  	[sflag:s28] =	ssyncset.done $0x0  }
0xfc: {  	s7 =	simm.s32 $0x1080;
	[sflag:s28] =	ssyncadd.s32 $0xFFFFD800  }
0xfd: {  	[spmem:s2] =	stream.indirect.scatter.add.f32 [tilespmem:s25], [sflag:$0x4], $0x80, s7, s23, $0xb8;
	[tilespmem:$0x1B000] =	vst v63  }
0xfe: {  	_ =	swait.ge [sflag:s20], $0x2800  }
0xff: {  	s31 =	simm.s32 $0x100;
	s0 =	simm.s32 $0x800;
	[sflag:s20] =	ssyncset.done $0x0  }
.LBB2_8:
0x100: {  	s3 =	sadd.s32 $0x80, s31  }
0x101: {  	[sflag:s20] =	ssyncadd.s32 $0xFFFFD800;
	s5 =	smov.u32 s0;
	s7 =	sadd.s32 $0x400, s0  }
0x102: {  	[tilespmem:s25], [sflag:$0x2] =	stream.indirect.gather [hbm4b:s1+s23], $0x80, s3, s23, $0xb8;
	[tilespmem:$0x1B000] =	vst v63  }
0x103: {  	p0 =	sne.s32 s0, $0x2C00;
	_ =	swait.ge [sflag:s26], $0x2800  }
0x104: {  	[sflag:s26] =	ssyncset.done $0x0  }
0x105: {  	s0 =	sadd.s32 $0x1000, s31;
	[sflag:s26] =	ssyncadd.s32 $0xFFFFD800  }
0x106: {  	[spmem:s2] =	stream.indirect.scatter.add.f32 [tilespmem:s24], [sflag:$0x4], $0x80, s0, s23, $0xb8;
	[tilespmem:$0x1B000] =	vst v63  }
0x107: {  	_ =	swait.ge [sflag:s20], $0x2800  }
0x108: {  	[sflag:s20] =	ssyncset.done $0x0  }
0x109: {  	s0 =	sadd.s32 $0x100, s31;
	[sflag:s20] =	ssyncadd.s32 $0xFFFFD800  }
0x10a: {  	[tilespmem:s24], [sflag:$0x1] =	stream.indirect.gather [hbm4b:s1+s23], $0x80, s0, s23, $0xb8;
	[tilespmem:$0x1B000] =	vst v63  }
0x10b: {  	_ =	swait.ge [sflag:s28], $0x2800  }
.Ltmp3:
0x10c: {  	[sflag:s28] =	ssyncset.done $0x0;
	(pc) =	sbr.rel @p0 .LBB2_8-.Ltmp3, $4  }
0x10d: {  	s0 =	sadd.s32 $0x1080, s31;
	[sflag:s28] =	ssyncadd.s32 $0xFFFFD800  }
0x10e: {  	[spmem:s2] =	stream.indirect.scatter.add.f32 [tilespmem:s25], [sflag:$0x4], $0x80, s0, s23, $0xb8;
	[tilespmem:$0x1B000] =	vst v63  }
0x10f: {  	_ =	swait.ge [sflag:s20], $0x2800  }
0x110: {  	s31 =	sshra.s32 s5, $0x2;
	s0 =	smov.u32 s7;
	[sflag:s20] =	ssyncset.done $0x0  }
0x111: {  	s0 =	sadd.s32 $0x80, s31;
	[sflag:s20] =	ssyncadd.s32 $0xFFFFD800  }
0x112: {  	[tilespmem:s25], [sflag:$0x2] =	stream.indirect.gather [hbm4b:s1+s23], $0x80, s0, s23, $0xb8;
	[tilespmem:$0x1B000] =	vst v63  }
0x113: {  	_ =	swait.ge [sflag:s26], $0x2800  }
0x114: {  	[sflag:s26] =	ssyncset.done $0x0  }
0x115: {  	s5 =	sadd.s32 $0x1000, s31;
	[sflag:s26] =	ssyncadd.s32 $0xFFFFD800  }
0x116: {  	[spmem:s2] =	stream.indirect.scatter.add.f32 [tilespmem:s24], [sflag:$0x4], $0x80, s5, s23, $0xb8;
	[tilespmem:$0x1B000] =	vst v63  }
0x117: {  	_ =	swait.ge [sflag:s20], $0x2800  }
0x118: {  	[sflag:s20] =	ssyncset.done $0x0  }
0x119: {  	s7 =	sadd.s32 $0x100, s31;
	[sflag:s20] =	ssyncadd.s32 $0xFFFFD800  }
0x11a: {  	[tilespmem:s24], [sflag:$0x1] =	stream.indirect.gather [hbm4b:s1+s23], $0x80, s7, s23, $0xb8;
	[tilespmem:$0x1B000] =	vst v63  }
0x11b: {  	_ =	swait.ge [sflag:s28], $0x2800  }
0x11c: {  	[sflag:s28] =	ssyncset.done $0x0  }
0x11d: {  	s3 =	sadd.s32 $0x1080, s31;
	[sflag:s28] =	ssyncadd.s32 $0xFFFFD800  }
0x11e: {  	[spmem:s2] =	stream.indirect.scatter.add.f32 [tilespmem:s25], [sflag:$0x4], $0x80, s3, s23, $0xb8;
	[tilespmem:$0x1B000] =	vst v63  }
0x11f: {  	_ =	swait.ge [sflag:s20], $0x2800  }
0x120: {  	[sflag:s20] =	ssyncset.done $0x0  }
0x121: {  	[sflag:s20] =	ssyncadd.s32 $0xFFFFD800  }
0x122: {  	_ =	swait.ge [sflag:s26], $0x2800  }
0x123: {  	[sflag:s26] =	ssyncset.done $0x0  }
0x124: {  	[sflag:s26] =	ssyncadd.s32 $0xFFFFD800  }
0x125: {  	[spmem:s2] =	stream.indirect.scatter.add.f32 [tilespmem:s24], [sflag:$0x4], $0x80, s29, s23, $0xb8;
	[tilespmem:$0x1B000] =	vst v63  }
0x126: {  	_ =	swait.ge [sflag:s20], $0x2800  }
0x127: {  	[sflag:s20] =	ssyncset.done $0x0  }
0x128: {  	s5 =	simm.s32 $0x0;
	[sflag:s20] =	ssyncadd.s32 $0xFFFFD800  }
0x129: {  	[tilespmem:s5], [sflag:$0x3] =	stream.linear.gather [hbm4b:s15+s5], $0xC80, $0x38;
	[tilespmem:$0x1B000] =	vst v63  }
0x12a: {  	_ = 	snop  }
0x12b: {  	[tilespmem:s21], [sflag:$0x3] =	stream.linear.gather [hbm4b:s16+s5], $0xC80, $0x38;
	[tilespmem:$0x1B000] =	vst v63  }
0x12c: {  	_ =	swait.ge [sflag:s22], $0xC80  }
0x12d: {  	[sflag:s22] =	ssyncset.done $0x0  }
0x12e: {  	[sflag:s22] =	ssyncadd.s32 $0xFFFFF380  }
0x12f: {  	_ =	swait.ge [sflag:s22], $0xC80  }
0x130: {  	[sflag:s22] =	ssyncset.done $0x0  }
0x131: {  	[sflag:s22] =	ssyncadd.s32 $0xFFFFF380  }
0x132: {  	[tilespmem:s24], [sflag:$0x1] =	stream.indirect.gather [hbm4b:s1+s23], $0x80, s5, s23, $0xb8;
	[tilespmem:$0x1B000] =	vst v63  }
0x133: {  	s7 =	simm.s32 $0x80  }
0x134: {  	[tilespmem:s25], [sflag:$0x2] =	stream.indirect.gather [hbm4b:s1+s23], $0x80, s7, s23, $0xb8;
	[tilespmem:$0x1B000] =	vst v63  }
0x135: {  	_ =	swait.ge [sflag:s26], $0x2800  }
0x136: {  	[sflag:s26] =	ssyncset.done $0x0  }
0x137: {  	s3 =	simm.s32 $0x1000;
	[sflag:s26] =	ssyncadd.s32 $0xFFFFD800  }
0x138: {  	[spmem:s2] =	stream.indirect.scatter.add.f32 [tilespmem:s24], [sflag:$0x4], $0x80, s3, s23, $0xb8;
	[tilespmem:$0x1B000] =	vst v63  }
0x139: {  	_ =	swait.ge [sflag:s20], $0x2800  }
0x13a: {  	[sflag:s20] =	ssyncset.done $0x0  }
0x13b: {  	s5 =	simm.s32 $0x100;
	[sflag:s20] =	ssyncadd.s32 $0xFFFFD800  }
0x13c: {  	[tilespmem:s24], [sflag:$0x1] =	stream.indirect.gather [hbm4b:s1+s23], $0x80, s5, s23, $0xb8;
	[tilespmem:$0x1B000] =	vst v63  }
0x13d: {  	_ =	swait.ge [sflag:s28], $0x2800  }
0x13e: {  	[sflag:s28] =	ssyncset.done $0x0  }
0x13f: {  	s7 =	simm.s32 $0x1080;
	[sflag:s28] =	ssyncadd.s32 $0xFFFFD800  }
0x140: {  	[spmem:s2] =	stream.indirect.scatter.add.f32 [tilespmem:s25], [sflag:$0x4], $0x80, s7, s23, $0xb8;
	[tilespmem:$0x1B000] =	vst v63  }
0x141: {  	_ =	swait.ge [sflag:s20], $0x2800  }
0x142: {  	s31 =	simm.s32 $0x100;
	s0 =	simm.s32 $0x800;
	[sflag:s20] =	ssyncset.done $0x0  }
.LBB2_10:
0x143: {  	s3 =	sadd.s32 $0x80, s31  }
0x144: {  	[sflag:s20] =	ssyncadd.s32 $0xFFFFD800;
	s5 =	smov.u32 s0;
	s7 =	sadd.s32 $0x400, s0  }
0x145: {  	[tilespmem:s25], [sflag:$0x2] =	stream.indirect.gather [hbm4b:s1+s23], $0x80, s3, s23, $0xb8;
	[tilespmem:$0x1B000] =	vst v63  }
0x146: {  	p0 =	sne.s32 s0, $0x2C00;
	_ =	swait.ge [sflag:s26], $0x2800  }
0x147: {  	[sflag:s26] =	ssyncset.done $0x0  }
0x148: {  	s0 =	sadd.s32 $0x1000, s31;
	[sflag:s26] =	ssyncadd.s32 $0xFFFFD800  }
0x149: {  	[spmem:s2] =	stream.indirect.scatter.add.f32 [tilespmem:s24], [sflag:$0x4], $0x80, s0, s23, $0xb8;
	[tilespmem:$0x1B000] =	vst v63  }
0x14a: {  	_ =	swait.ge [sflag:s20], $0x2800  }
0x14b: {  	[sflag:s20] =	ssyncset.done $0x0  }
0x14c: {  	s0 =	sadd.s32 $0x100, s31;
	[sflag:s20] =	ssyncadd.s32 $0xFFFFD800  }
0x14d: {  	[tilespmem:s24], [sflag:$0x1] =	stream.indirect.gather [hbm4b:s1+s23], $0x80, s0, s23, $0xb8;
	[tilespmem:$0x1B000] =	vst v63  }
0x14e: {  	_ =	swait.ge [sflag:s28], $0x2800  }
.Ltmp4:
0x14f: {  	[sflag:s28] =	ssyncset.done $0x0;
	(pc) =	sbr.rel @p0 .LBB2_10-.Ltmp4, $4  }
0x150: {  	s0 =	sadd.s32 $0x1080, s31;
	[sflag:s28] =	ssyncadd.s32 $0xFFFFD800  }
0x151: {  	[spmem:s2] =	stream.indirect.scatter.add.f32 [tilespmem:s25], [sflag:$0x4], $0x80, s0, s23, $0xb8;
	[tilespmem:$0x1B000] =	vst v63  }
0x152: {  	_ =	swait.ge [sflag:s20], $0x2800  }
0x153: {  	s31 =	sshra.s32 s5, $0x2;
	s0 =	smov.u32 s7;
	[sflag:s20] =	ssyncset.done $0x0  }
0x154: {  	s0 =	sadd.s32 $0x80, s31;
	[sflag:s20] =	ssyncadd.s32 $0xFFFFD800  }
0x155: {  	[tilespmem:s25], [sflag:$0x2] =	stream.indirect.gather [hbm4b:s1+s23], $0x80, s0, s23, $0xb8;
	[tilespmem:$0x1B000] =	vst v63  }
0x156: {  	_ =	swait.ge [sflag:s26], $0x2800  }
0x157: {  	[sflag:s26] =	ssyncset.done $0x0  }
0x158: {  	s5 =	sadd.s32 $0x1000, s31;
	[sflag:s26] =	ssyncadd.s32 $0xFFFFD800  }
0x159: {  	[spmem:s2] =	stream.indirect.scatter.add.f32 [tilespmem:s24], [sflag:$0x4], $0x80, s5, s23, $0xb8;
	[tilespmem:$0x1B000] =	vst v63  }
0x15a: {  	_ =	swait.ge [sflag:s20], $0x2800  }
0x15b: {  	[sflag:s20] =	ssyncset.done $0x0  }
0x15c: {  	s7 =	sadd.s32 $0x100, s31;
	[sflag:s20] =	ssyncadd.s32 $0xFFFFD800  }
0x15d: {  	[tilespmem:s24], [sflag:$0x1] =	stream.indirect.gather [hbm4b:s1+s23], $0x80, s7, s23, $0xb8;
	[tilespmem:$0x1B000] =	vst v63  }
0x15e: {  	_ =	swait.ge [sflag:s28], $0x2800  }
0x15f: {  	[sflag:s28] =	ssyncset.done $0x0  }
0x160: {  	s31 =	sadd.s32 $0x1080, s31;
	[sflag:s28] =	ssyncadd.s32 $0xFFFFD800  }
0x161: {  	[spmem:s2] =	stream.indirect.scatter.add.f32 [tilespmem:s25], [sflag:$0x4], $0x80, s31, s23, $0xb8;
	[tilespmem:$0x1B000] =	vst v63  }
0x162: {  	_ =	swait.ge [sflag:s20], $0x2800  }
0x163: {  	[sflag:s20] =	ssyncset.done $0x0  }
0x164: {  	[sflag:s20] =	ssyncadd.s32 $0xFFFFD800  }
0x165: {  	_ =	swait.ge [sflag:s26], $0x2800  }
0x166: {  	[sflag:s26] =	ssyncset.done $0x0  }
0x167: {  	[sflag:s26] =	ssyncadd.s32 $0xFFFFD800  }
0x168: {  	[spmem:s2] =	stream.indirect.scatter.add.f32 [tilespmem:s24], [sflag:$0x4], $0x80, s29, s23, $0xb8;
	[tilespmem:$0x1B000] =	vst v63  }
0x169: {  	_ =	swait.ge [sflag:s20], $0x2800  }
0x16a: {  	s30 =	sadd.s32 $0x1, s30;
	[sflag:s20] =	ssyncset.done $0x0  }
0x16b: {  	p0 =	sne.s32 s30, s18;
	[sflag:s20] =	ssyncadd.s32 $0xFFFFD800  }
.Ltmp5:
0x16c: {  	[bflag:$0x0] =	sbarrier.arrive $0xFFFF;
	(pc) =	sbr.rel @p0 .LBB2_1-.Ltmp5, $4  }
0x16d: {  	[hbm:s17], [sflag:s6] =	dma.local [spmem:s19], $0x2800  }
0x16e: {  	_ =	swait.ge [sflag:s20], $0x2800  }
0x16f: {  	[sflag:s20] =	ssyncset.done $0x0  }
0x170: {  	[sflag:s20] =	ssyncadd.s32 $0xFFFFD800  }
0x171: {  	_ =	sfence.sel $0x180000  }
0x172: {  	[bflag:$0x0] =	sbarrier.arrive $0xFFFF  }
0x173: {  	_ =	strace $0x9000004A  }
0x174: {  	s0 =	stileid.u32;
	[bflag:$0x2] =	sbarrier.arrive $0xFFFF  }
0x175: {  	p0 =	sne.s32 s0, $0x0;
	s0 =	rddreg [dreg:$0x3]  }
0x176: {  	s0 =	sadd.s32 @!p0 $0x100000, s0  }
0x177: {  	[sflag:s0] =	ssyncadd.tile.s32 @!p0 $0x1;
	_ =	shalt  }
.Lfunc_end2:
_tile_overlayer_lowered:
.L_overlay_start_2:
0x178: {  	(tag) =	ssettag $0x2  }
0x179: {  	s0 =	rddreg [dreg:$0x0];
	s2 =	stileid.u32  }
0x17a: {  	s1 =	rddreg [dreg:$0x1];
	p0 =	sne.s32 s2, $0x0  }
0x17b: {  	s3 =	rddreg [dreg:$0x2];
	[bflag:$0x3] =	sbarrier.arrive $0xFFFF;
	s2 =	simm.s32 @!p0 $0x1C04  }
0x17c: {  	[timem:s3], [sflag:s2] =	dma.local @!p0 [hbm:s0], s1  }
0x17d: {  	s0 =	simm.s32 @!p0 $0x4  }
0x17e: {  	_ =	swait.ge @!p0 [sflag:s0], s1  }
0x17f: {  	s1 =	ssub.s32 @!p0 $0x0, s1;
	[sflag:s0] =	ssyncset.done @!p0 $0x0  }
0x180: {  	[sflag:s0] =	ssyncadd.s32 @!p0 s1  }
0x181: {  	[bflag:$0x3] =	sbarrier.arrive $0xFFFF  }
0x182: {  	_ =	shalt  }

// kernel: kernel.4.cloned.1.call-start
scs
__scs_entry_jumppad:
0x0: {  	(pc) =	sbr.rel $0x88, $3  }
0x1: {  	(tag) =	ssettag $0x0;
	lr =	simm.s32 $0x1  }
0x2: {  	[smem:$0x3F9F] =	sst lr;
	_ =	strace $0xD0000000  }
0x3: {  	_ = 	snop  }
0x4: {  	_ = 	snop  }
0x5: {  	_ = 	snop  }
0x6: {  	_ = 	snop  }
0x7: {  	_ = 	snop  }
__scs_overlays_trampoline_lowered:
0x8: {  	[smem:$0x3FAE] =	sst s0  }
0x9: {  	[smem:$0x3FAF] =	sst s1  }
0xa: {  	[smem:$0x3FB0] =	sst s2  }
0xb: {  	[smem:$0x3FB1] =	sst s3  }
0xc: {  	[smem:$0x3FB2] =	sst s4  }
0xd: {  	[smem:$0x3FB3] =	sst s5  }
0xe: {  	[smem:$0x3FB4] =	sst s6  }
0xf: {  	[smem:$0x3FB5] =	sst s7  }
0x10: {  	[smem:$0x3FB6] =	sst s8  }
0x11: {  	[smem:$0x3FB7] =	sst s9;
	s0 =	simm.s32 @!p0 $0x0  }
0x12: {  	s1 =	sld [smem:$0x3F9D];
	s0 =	simm.s32 @p0 $0x1  }
0x13: {  	[smem:$0x3FB8] =	sst s0;
	s0 =	simm.s32 @!p1 $0x0  }
0x14: {  	s2 =	sld [smem:$0x3F9C];
	s0 =	simm.s32 @p1 $0x1  }
0x15: {  	[smem:$0x3FB9] =	sst s0;
	s0 =	simm.s32 @!p2 $0x0  }
0x16: {  	s3 =	sld [smem:$0x3FDB];
	s0 =	simm.s32 @p2 $0x1  }
0x17: {  	s4 =	simm.s32 $0x1BF5;
	[smem:$0x3FBB] =	sst s0  }
0x18: {  	s0 =	sld [smem:$0x3F9E];
	_ =	swait.ge [sflag:s4], $0x0  }
0x19: {  	s7 =	sld [smem:$0x3F9F]  }
0x1a: {  	s8 =	sadd.s32 $0xFFFFE003, lr  }
0x1b: {  	s9 =	sadd.s32 $0xFFFFFEF7, lr;
	s5 =	simm.s32 $0xFFFFFFFF;
	p2 =	slt.u32 s8, $0xFFFFF086  }
0x1c: {  	p1 =	slt.u32 s9, $0xF7A;
	s5 =	simm.s32 @!p2 $0x0  }
0x1d: {  	s5 =	simm.s32 @p1 $0x1;
	p0 =	seq.s32 s7, s2  }
0x1e: {  	s7 =	smul.u32 @!p0 $0xF7A, s2;
	p2 =	seq.s32 @!p0 s5, $0x0  }
0x1f: {  	s9 =	smul.u32 $0xF7A, s1;
	s8 =	simm.s32 @!p0 $0x1BF5;
	p2 =	por !p2, p0  }
0x20: {  	[sflag:s8] =	ssyncset.s32 @!p0 $0xFFFFF086;
	s6 =	sadd.s32 @!p0 s3, s7;
	s7 =	simm.s32 @!p0 $0x108  }
0x21: {  	s3 =	sadd.s32 s3, s9;
	s6 =	sadd.s32 @!p0 $0x88, s6;
	s7 =	simm.s32 @p2 $0x1082  }
0x22: {  	[simem:s7], [sflag:s8] =	dma.local @!p0 [hbm:s6], $0xF7A  }
0x23: {  	s9 =	sor.u32 $0xD0000000, s2;
	s6 =	simm.s32 $0x108;
	_ =	swait.ge @!p0 [sflag:s8], $0x0  }
0x24: {  	s3 =	sadd.s32 $0x88, s3;
	s6 =	simm.s32 @!p1 $0x1082;
	[sflag:s4] =	ssyncset.s32 $0xFFFFF086  }
0x25: {  	[simem:s6], [sflag:s4] =	dma.local [hbm:s3], $0xF7A  }
0x26: {  	[smem:$0x3F9F] =	sst s1;
	(tag) =	ssettag s2;
	_ =	strace s9  }
0x27: {  	s1 =	sld [smem:$0x3FAF]  }
0x28: {  	s2 =	sld [smem:$0x3FB0]  }
0x29: {  	s4 =	sld [smem:$0x3FB2]  }
0x2a: {  	p0 =	seq.s32 s5, $0x0;
	s5 =	sld [smem:$0x3FB3]  }
0x2b: {  	s6 =	sld [smem:$0x3FB4]  }
0x2c: {  	s7 =	sld [smem:$0x3FB5]  }
0x2d: {  	s3 =	simm.s32 $0x108;
	s8 =	sld [smem:$0x3FB6]  }
0x2e: {  	s3 =	simm.s32 @!p0 $0x1082;
	s9 =	sld [smem:$0x3FB7]  }
0x2f: {  	lr =	sadd.s32 s0, s3;
	s0 =	sld [smem:$0x3FAE]  }
0x30: {  	s3 =	sld [smem:$0x3FB1]  }
0x31: {  	[smem:$0x3FBA] =	sst s10  }
0x32: {  	s10 =	sld [smem:$0x3FB8];
	_ =	sdelay $0x3  }
0x33: {  	p0 =	seq.s32 s10, $0x1;
	s10 =	sld [smem:$0x3FBA];
	_ =	sdelay $0x3  }
0x34: {  	[smem:$0x3FBA] =	sst s10  }
0x35: {  	s10 =	sld [smem:$0x3FB9];
	_ =	sdelay $0x3  }
0x36: {  	p1 =	seq.s32 s10, $0x1;
	s10 =	sld [smem:$0x3FBA];
	_ =	sdelay $0x3  }
0x37: {  	[smem:$0x3FBA] =	sst s10  }
0x38: {  	s10 =	sld [smem:$0x3FBB]  }
0x39: {  	_ = 	snop;
	(pc) =	sbr.ind lr, $3  }
0x3a: {  	_ = 	snop  }
0x3b: {  	_ = 	snop  }
0x3c: {  	p2 =	seq.s32 s10, $0x1;
	s10 =	sld [smem:$0x3FBA]  }
0x3d: {  	_ =	shalt  }
0x3e: {  	_ =	shalt  }
0x3f: {  	_ =	shalt  }
0x40: {  	_ =	shalt  }
0x41: {  	_ =	shalt  }
0x42: {  	_ =	shalt  }
0x43: {  	_ =	shalt  }
0x44: {  	_ =	shalt  }
0x45: {  	_ =	shalt  }
0x46: {  	_ =	shalt  }
0x47: {  	_ =	shalt  }
0x48: {  	_ =	shalt  }
0x49: {  	_ =	shalt  }
0x4a: {  	_ =	shalt  }
0x4b: {  	_ =	shalt  }
0x4c: {  	_ =	shalt  }
0x4d: {  	_ =	shalt  }
0x4e: {  	_ =	shalt  }
0x4f: {  	_ =	shalt  }
0x50: {  	_ =	shalt  }
0x51: {  	_ =	shalt  }
0x52: {  	_ =	shalt  }
0x53: {  	_ =	shalt  }
0x54: {  	_ =	shalt  }
0x55: {  	_ =	shalt  }
0x56: {  	_ =	shalt  }
0x57: {  	_ =	shalt  }
0x58: {  	_ =	shalt  }
0x59: {  	_ =	shalt  }
0x5a: {  	_ =	shalt  }
0x5b: {  	_ =	shalt  }
0x5c: {  	_ =	shalt  }
0x5d: {  	_ =	shalt  }
0x5e: {  	_ =	shalt  }
0x5f: {  	_ =	shalt  }
0x60: {  	_ =	shalt  }
0x61: {  	_ =	shalt  }
0x62: {  	_ =	shalt  }
0x63: {  	_ =	shalt  }
0x64: {  	_ =	shalt  }
0x65: {  	_ =	shalt  }
0x66: {  	_ =	shalt  }
0x67: {  	_ =	shalt  }
0x68: {  	_ =	shalt  }
0x69: {  	_ =	shalt  }
0x6a: {  	_ =	shalt  }
0x6b: {  	_ =	shalt  }
0x6c: {  	_ =	shalt  }
0x6d: {  	_ =	shalt  }
0x6e: {  	_ =	shalt  }
0x6f: {  	_ =	shalt  }
0x70: {  	_ =	shalt  }
0x71: {  	_ =	shalt  }
0x72: {  	_ =	shalt  }
0x73: {  	_ =	shalt  }
0x74: {  	_ =	shalt  }
0x75: {  	_ =	shalt  }
0x76: {  	_ =	shalt  }
0x77: {  	_ =	shalt  }
0x78: {  	_ =	shalt  }
0x79: {  	_ =	shalt  }
0x7a: {  	_ =	shalt  }
0x7b: {  	_ =	shalt  }
0x7c: {  	_ =	shalt  }
0x7d: {  	_ =	shalt  }
0x7e: {  	_ =	shalt  }
0x7f: {  	_ =	shalt  }
0x80: {  	_ =	shalt  }
0x81: {  	_ =	shalt  }
0x82: {  	_ =	shalt  }
0x83: {  	_ =	shalt  }
0x84: {  	_ =	shalt  }
0x85: {  	_ =	shalt  }
0x86: {  	_ =	shalt  }
0x87: {  	_ =	shalt  }
.Lfunc_end0:
.L_simem_size_0:
called_computation.1_lowered:
.L_overlay_start_0:
0x88: {  	s2 =	sld [smem:$0x3FD9]  }
0x89: {  	s3 =	sld [smem:$0x3FFE];
	_ =	sdelay $0x1  }
0x8a: {  	s1 =	srdreg.scid  }
0x8b: {  	s0 =	sand.u32 $0x1, s1  }
0x8c: {  	s17 =	sshll.u32 s0, $0xA;
	s2 =	sadd.s32 s3, s2  }
0x8d: {  	s2 =	sadd.s32 s2, s17  }
0x8e: {  	[smem:$0x3FC6] =	sst s2  }
0x8f: {  	_ = 	snop  }
0x90: {  	s2 =	sld [smem:$0x3FD0];
	(tm) =	ssettm $0x1  }
0x91: {  	s18 =	sld [smem:$0x3FFB];
	_ =	sdelay $0x3  }
0x92: {  	_ =	strace s18  }
0x93: {  	s3 =	sld [smem:$0x3FFC];
	_ =	sdelay $0x3  }
0x94: {  	_ =	strace s3  }
0x95: {  	s3 =	sld [smem:$0x3FFD];
	_ =	sdelay $0x3  }
0x96: {  	_ =	strace s3  }
0x97: {  	_ =	strace $0x8FFFFFFF  }
0x98: {  	s19 =	sld [smem:$0x3FDB];
	_ =	sdelay $0x1  }
0x99: {  	s4 =	simm.s32 $_scs_section_size  }
0x9a: {  	s5 =	simm.s32 $_size__tile_overlayer_lowered;
	s6 =	simm.s32 $_tile_overlayer_lowered  }
0x9b: {  	s22 =	simm.s32 $0x1BFF;
	s21 =	sshll.u32 s6, $0x1;
	s3 =	sadd.s32 s4, s19  }
0x9c: {  	s7 =	simm.s32 $0x0;
	s20 =	sshll.u32 s5, $0x1;
	s5 =	sadd.s32 s21, s3  }
0x9d: {  	[timem:s7], [sflag:s22] =	dma.local [hbm:s5], s20  }
0x9e: {  	_ =	swait.ge [sflag:s22], s20  }
0x9f: {  	s4 =	ssub.s32 $0x0, s20;
	[sflag:s22] =	ssyncset.done $0x0  }
0xa0: {  	[sflag:s22] =	ssyncadd.s32 s4;
	_ =	sdelay $0x1  }
0xa1: {  	s23 =	simm.s32 $0x1B8B  }
0xa2: {  	_ =	swait.ge [sflag:s23], $0x1  }
0xa3: {  	[sflag:s23] =	ssyncset.done $0x0  }
0xa4: {  	s25 =	simm.s32 $0x1B8E;
	s24 =	sld [smem:$0x3FFE];
	[sflag:s23] =	ssyncadd.s32 $0xFFFFFFFF  }
0xa5: {  	s26 =	simm.s32 $execute0_lowered;
	[smem:$0x3FD2] =	sst s25  }
0xa6: {  	s5 =	sshll.u32 s26, $0x1;
	_ =	strace $0x80000046;
	[dreg:$0x1] =	wrdreg $0xFFFFFFFF  }
0xa7: {  	s28 =	simm.s32 $_size_execute0_lowered;
	s3 =	sadd.s32 s3, s5;
	[dreg:$0x0] =	wrdreg $0x0  }
0xa8: {  	s5 =	sshll.u32 s28, $0x1;
	[dreg:$0x2] =	wrdreg s3  }
0xa9: {  	[dreg:$0x3] =	wrdreg s5  }
0xaa: {  	[dreg:$0x4] =	wrdreg $0xC0  }
0xab: {  	_ =	task [dreg:s7], $0x5FFFF  }
0xac: {  	[dreg:$0x1] =	wrdreg $0xFFFFFFFF  }
0xad: {  	[dreg:$0x0] =	wrdreg $0x60  }
0xae: {  	[dreg:$0x2] =	wrdreg s24  }
0xaf: {  	[dreg:$0x3] =	wrdreg s2  }
0xb0: {  	[dreg:$0x4] =	wrdreg $0x38000  }
0xb1: {  	[dreg:$0x5] =	wrdreg $0x9  }
0xb2: {  	_ =	task.clear_ibuf [dreg:s7], $0x6FFFF;
	_ =	strace $0x90000046  }
0xb3: {  	s29 =	simm.s32 $0x9;
	_ =	strace $0x80000048  }
0xb4: {  	_ =	swait.ge [sflag:s29], $0x1  }
0xb5: {  	[sflag:s29] =	ssyncadd.s32 $0xFFFFFFFF  }
0xb6: {  	_ =	strace $0x90000048  }
0xb7: {  	_ =	sfence  }
0xb8: {  	s30 =	sld [smem:$0x0];
	_ =	sdelay $0x2  }
0xb9: {  	s31 =	sshll.u32 s1, $0xD;
	s1 =	sshrl.u32 s1, $0x2  }
0xba: {  	s3 =	sand.u32 $0x4000, s31;
	s1 =	sadd.s32 s1, s30  }
0xbb: {  	s0 =	sor.u32 s3, s0;
	s1 =	sshll.u32 s1, $0x11  }
0xbc: {  	s0 =	sor.u32 s1, s0  }
0xbd: {  	s0 =	sadd.s32 $0x8F2B, s0  }
0xbe: {  	[sflag:s0] =	ssyncadd.remote.s32 $0x1  }
0xbf: {  	_ =	sfence.sel $0xFFFF  }
0xc0: {  	[dreg:$0x0] =	wrdreg $0xFFFFFFFF;
	(pc) =	sbr.abs _section_cstart, $3  }
0xc1: {  	[dreg:$0x1] =	wrdreg $0xFFFFFFFF  }
0xc2: {  	_ =	task.clear_ibuf [dreg:s7], $0x2FFFF;
	_ =	strace $0x9FFFFFFF  }
0xc3: {  	(tm) =	ssettm $0x7FFFFFFF  }
tec
execute0_lowered:
.L_overlay_start_1:
0x0: {  	(tag) =	ssettag $0x1  }
0x1: {  	s6 =	rddreg [dreg:$0x0]  }
0x2: {  	s1 =	srdreg.scid;
	s2 =	rddreg [dreg:$0x1]  }
0x3: {  	s0 =	stileid.u32;
	s3 =	rddreg [dreg:$0x2];
	s4 =	simm.s32 $0x0  }
0x4: {  	s14 =	simm.s32 $0x2;
	s17 =	simm.s32 $0x1;
	s18 =	simm.s32 $0x50  }
0x5: {  	s19 =	simm.s32 $0x0;
	s7 =	sand.u32 $0x1, s1;
	s9 =	smul.u32 $0x14000, s0  }
0x6: {  	s30 =	sshll.u32 s0, $0x1;
	[smem:$0x7FF] =	sst s4;
	s11 =	smul.u32 $0x50000, s0  }
0x7: {  	s15 =	sshll.u32 s0, $0x6;
	s1 =	sor.u32 s7, s30;
	s8 =	smul.u32 $0x140000, s7  }
0x8: {  	s7 =	ssub.s32 $0x2, s7;
	s15 =	sor.u32 $0x1C02, s15;
	s5 =	smul.u32 $0x5000, s1  }
0x9: {  	s1 =	rddreg [dreg:$0x3];
	_ =	strace $0x80000047;
	s31 =	sshrl.u32 s7, $0x1  }
0xa: {  	s11 =	sshrl.u32 s11, $0x2;
	s8 =	sadd.s32 s9, s8;
	s13 =	ssub.s32 s7, s31  }
0xb: {  	s16 =	sadd.s32 s11, s3;
	s5 =	sshrl.u32 s5, $0x3;
	s8 =	sshrl.u32 s8, $0x3  }
0xc: {  	s16 =	sshrl.u32 s16, $0x3;
	s10 =	sadd.s32 s5, s6;
	s5 =	sadd.s32 $0x15800, s6  }
0xd: {  	s12 =	sadd.s32 s8, s6;
	s6 =	sadd.s32 $0x1800, s10;
	s7 =	sadd.s32 $0x1A00, s10  }
0xe: {  	s8 =	sadd.s32 $0x1C00, s10;
	s9 =	sadd.s32 $0x1E00, s10;
	s10 =	sadd.s32 $0x2000, s10  }
0xf: {  	s11 =	sadd.s32 $0x15E00, s12;
	s12 =	smax.u32 s13, $0x1;
	s13 =	simm.s32 $0x1000  }
.LBB2_1:
0x10: {  	[tilespmem:s13], [sflag:$0x2] =	stream.linear.gather [hbm4b:s5+s4], $0x2800, $0x38;
	[tilespmem:$0x17800] =	vst v63  }
0x11: {  	_ =	swait.ge [sflag:s14], $0x2800  }
0x12: {  	[sflag:s14] =	ssyncset.done $0x0  }
0x13: {  	[sflag:s14] =	ssyncadd.s32 $0xFFFFD800  }
0x14: {  	[spmem:s16], [sflag:s15] =	dma.local [hbm:s2], $0x2800  }
0x15: {  	_ =	swait.ge [sflag:s14], $0x2800  }
0x16: {  	[sflag:s14] =	ssyncset.done $0x0  }
0x17: {  	[sflag:s14] =	ssyncadd.s32 $0xFFFFD800  }
0x18: {  	[bflag:$0x0] =	sbarrier.arrive $0xFFFF  }
0x19: {  	[tilespmem:s4], [sflag:$0x1] =	stream.linear.gather [hbm4b:s6+s4], $0xC80, $0x38;
	[tilespmem:$0x17800] =	vst v63  }
0x1a: {  	_ =	swait.ge [sflag:s17], $0xC80  }
0x1b: {  	[sflag:s17] =	ssyncset.done $0x0  }
0x1c: {  	s20 =	simm.s32 $0x0;
	[sflag:s17] =	ssyncadd.s32 $0xFFFFF380  }
0x1d: {  	[spmem:s3] =	stream.indirect.scatter.add.f32 [tilespmem:s13], [sflag:$0x2], $0x80, s20, s18, $0xb8;
	[tilespmem:$0x17800] =	vst v63  }
0x1e: {  	_ =	swait.ge [sflag:s14], $0x2800  }
0x1f: {  	s20 =	simm.s32 $0x200;
	[sflag:s14] =	ssyncset.done $0x0  }
.LBB2_2:
0x20: {  	s21 =	sshra.s32 s20, $0x2;
	[sflag:s14] =	ssyncadd.s32 $0xFFFFD800;
	p0 =	sne.s32 s20, $0x3000  }
0x21: {  	[spmem:s3] =	stream.indirect.scatter.add.f32 [tilespmem:s13], [sflag:$0x2], $0x80, s21, s18, $0xb8;
	[tilespmem:$0x17800] =	vst v63  }
.Ltmp0:
0x22: {  	_ = 	snop;
	(pc) =	sbr.rel @p0 .LBB2_2-.Ltmp0, $4  }
0x23: {  	_ = 	snop  }
0x24: {  	s20 =	sadd.s32 $0x200, s20  }
0x25: {  	_ =	swait.ge [sflag:s14], $0x2800  }
0x26: {  	[sflag:s14] =	ssyncset.done $0x0  }
0x27: {  	[sflag:s14] =	ssyncadd.s32 $0xFFFFD800;
	s20 =	simm.s32 $0x0  }
0x28: {  	[tilespmem:s20], [sflag:$0x1] =	stream.linear.gather [hbm4b:s7+s20], $0xC80, $0x38;
	[tilespmem:$0x17800] =	vst v63  }
0x29: {  	_ =	swait.ge [sflag:s17], $0xC80  }
0x2a: {  	[sflag:s17] =	ssyncset.done $0x0  }
0x2b: {  	s31 =	simm.s32 $0x0;
	[sflag:s17] =	ssyncadd.s32 $0xFFFFF380  }
0x2c: {  	[spmem:s3] =	stream.indirect.scatter.add.f32 [tilespmem:s13], [sflag:$0x2], $0x80, s31, s18, $0xb8;
	[tilespmem:$0x17800] =	vst v63  }
0x2d: {  	_ =	swait.ge [sflag:s14], $0x2800  }
0x2e: {  	s20 =	simm.s32 $0x200;
	[sflag:s14] =	ssyncset.done $0x0  }
.LBB2_4:
0x2f: {  	s21 =	sshra.s32 s20, $0x2;
	[sflag:s14] =	ssyncadd.s32 $0xFFFFD800;
	p0 =	sne.s32 s20, $0x3000  }
0x30: {  	[spmem:s3] =	stream.indirect.scatter.add.f32 [tilespmem:s13], [sflag:$0x2], $0x80, s21, s18, $0xb8;
	[tilespmem:$0x17800] =	vst v63  }
.Ltmp1:
0x31: {  	_ = 	snop;
	(pc) =	sbr.rel @p0 .LBB2_4-.Ltmp1, $4  }
0x32: {  	_ = 	snop  }
0x33: {  	s20 =	sadd.s32 $0x200, s20  }
0x34: {  	_ =	swait.ge [sflag:s14], $0x2800  }
0x35: {  	[sflag:s14] =	ssyncset.done $0x0  }
0x36: {  	[sflag:s14] =	ssyncadd.s32 $0xFFFFD800;
	s20 =	simm.s32 $0x0  }
0x37: {  	[tilespmem:s20], [sflag:$0x1] =	stream.linear.gather [hbm4b:s8+s20], $0xC80, $0x38;
	[tilespmem:$0x17800] =	vst v63  }
0x38: {  	_ =	swait.ge [sflag:s17], $0xC80  }
0x39: {  	[sflag:s17] =	ssyncset.done $0x0  }
0x3a: {  	s31 =	simm.s32 $0x0;
	[sflag:s17] =	ssyncadd.s32 $0xFFFFF380  }
0x3b: {  	[spmem:s3] =	stream.indirect.scatter.add.f32 [tilespmem:s13], [sflag:$0x2], $0x80, s31, s18, $0xb8;
	[tilespmem:$0x17800] =	vst v63  }
0x3c: {  	_ =	swait.ge [sflag:s14], $0x2800  }
0x3d: {  	s20 =	simm.s32 $0x200;
	[sflag:s14] =	ssyncset.done $0x0  }
.LBB2_6:
0x3e: {  	s21 =	sshra.s32 s20, $0x2;
	[sflag:s14] =	ssyncadd.s32 $0xFFFFD800;
	p0 =	sne.s32 s20, $0x3000  }
0x3f: {  	[spmem:s3] =	stream.indirect.scatter.add.f32 [tilespmem:s13], [sflag:$0x2], $0x80, s21, s18, $0xb8;
	[tilespmem:$0x17800] =	vst v63  }
.Ltmp2:
0x40: {  	_ = 	snop;
	(pc) =	sbr.rel @p0 .LBB2_6-.Ltmp2, $4  }
0x41: {  	_ = 	snop  }
0x42: {  	s20 =	sadd.s32 $0x200, s20  }
0x43: {  	_ =	swait.ge [sflag:s14], $0x2800  }
0x44: {  	[sflag:s14] =	ssyncset.done $0x0  }
0x45: {  	[sflag:s14] =	ssyncadd.s32 $0xFFFFD800;
	s20 =	simm.s32 $0x0  }
0x46: {  	[tilespmem:s20], [sflag:$0x1] =	stream.linear.gather [hbm4b:s9+s20], $0xC80, $0x38;
	[tilespmem:$0x17800] =	vst v63  }
0x47: {  	_ =	swait.ge [sflag:s17], $0xC80  }
0x48: {  	[sflag:s17] =	ssyncset.done $0x0  }
0x49: {  	s31 =	simm.s32 $0x0;
	[sflag:s17] =	ssyncadd.s32 $0xFFFFF380  }
0x4a: {  	[spmem:s3] =	stream.indirect.scatter.add.f32 [tilespmem:s13], [sflag:$0x2], $0x80, s31, s18, $0xb8;
	[tilespmem:$0x17800] =	vst v63  }
0x4b: {  	_ =	swait.ge [sflag:s14], $0x2800  }
0x4c: {  	s20 =	simm.s32 $0x200;
	[sflag:s14] =	ssyncset.done $0x0  }
.LBB2_8:
0x4d: {  	s21 =	sshra.s32 s20, $0x2;
	[sflag:s14] =	ssyncadd.s32 $0xFFFFD800;
	p0 =	sne.s32 s20, $0x3000  }
0x4e: {  	[spmem:s3] =	stream.indirect.scatter.add.f32 [tilespmem:s13], [sflag:$0x2], $0x80, s21, s18, $0xb8;
	[tilespmem:$0x17800] =	vst v63  }
.Ltmp3:
0x4f: {  	_ = 	snop;
	(pc) =	sbr.rel @p0 .LBB2_8-.Ltmp3, $4  }
0x50: {  	_ = 	snop  }
0x51: {  	s20 =	sadd.s32 $0x200, s20  }
0x52: {  	_ =	swait.ge [sflag:s14], $0x2800  }
0x53: {  	[sflag:s14] =	ssyncset.done $0x0  }
0x54: {  	[sflag:s14] =	ssyncadd.s32 $0xFFFFD800;
	s20 =	simm.s32 $0x0  }
0x55: {  	[tilespmem:s20], [sflag:$0x1] =	stream.linear.gather [hbm4b:s10+s20], $0xC80, $0x38;
	[tilespmem:$0x17800] =	vst v63  }
0x56: {  	_ =	swait.ge [sflag:s17], $0xC80  }
0x57: {  	[sflag:s17] =	ssyncset.done $0x0  }
0x58: {  	s31 =	simm.s32 $0x0;
	[sflag:s17] =	ssyncadd.s32 $0xFFFFF380  }
0x59: {  	[spmem:s3] =	stream.indirect.scatter.add.f32 [tilespmem:s13], [sflag:$0x2], $0x80, s31, s18, $0xb8;
	[tilespmem:$0x17800] =	vst v63  }
0x5a: {  	_ =	swait.ge [sflag:s14], $0x2800  }
0x5b: {  	s20 =	simm.s32 $0x200;
	[sflag:s14] =	ssyncset.done $0x0  }
.LBB2_10:
0x5c: {  	s21 =	sshra.s32 s20, $0x2;
	[sflag:s14] =	ssyncadd.s32 $0xFFFFD800;
	p0 =	sne.s32 s20, $0x3000  }
0x5d: {  	[spmem:s3] =	stream.indirect.scatter.add.f32 [tilespmem:s13], [sflag:$0x2], $0x80, s21, s18, $0xb8;
	[tilespmem:$0x17800] =	vst v63  }
.Ltmp4:
0x5e: {  	_ = 	snop;
	(pc) =	sbr.rel @p0 .LBB2_10-.Ltmp4, $4  }
0x5f: {  	_ = 	snop  }
0x60: {  	s20 =	sadd.s32 $0x200, s20  }
0x61: {  	_ =	swait.ge [sflag:s14], $0x2800  }
0x62: {  	[sflag:s14] =	ssyncset.done $0x0  }
0x63: {  	s19 =	sadd.s32 $0x1, s19  }
0x64: {  	[sflag:s14] =	ssyncadd.s32 $0xFFFFD800;
	p0 =	sne.s32 s19, s12  }
.Ltmp5:
0x65: {  	[bflag:$0x0] =	sbarrier.arrive $0xFFFF;
	(pc) =	sbr.rel @p0 .LBB2_1-.Ltmp5, $4  }
0x66: {  	[hbm:s11], [sflag:s15] =	dma.local [spmem:s16], $0x2800  }
0x67: {  	_ =	swait.ge [sflag:s14], $0x2800  }
0x68: {  	[sflag:s14] =	ssyncset.done $0x0  }
0x69: {  	[sflag:s14] =	ssyncadd.s32 $0xFFFFD800  }
0x6a: {  	_ =	sfence.sel $0x180000  }
0x6b: {  	[bflag:$0x0] =	sbarrier.arrive $0xFFFF  }
0x6c: {  	p0 =	sne.s32 s0, $0x0;
	_ =	strace $0x90000047  }
0x6d: {  	s0 =	sadd.s32 @!p0 $0x100000, s1;
	[bflag:$0x2] =	sbarrier.arrive $0xFFFF  }
0x6e: {  	[sflag:s0] =	ssyncadd.tile.s32 @!p0 $0x1;
	_ =	shalt  }
.Lfunc_end2:
_tile_overlayer_lowered:
.L_overlay_start_2:
0x6f: {  	(tag) =	ssettag $0x2  }
0x70: {  	s0 =	rddreg [dreg:$0x0];
	s2 =	stileid.u32  }
0x71: {  	s1 =	rddreg [dreg:$0x1];
	p0 =	sne.s32 s2, $0x0  }
0x72: {  	s3 =	rddreg [dreg:$0x2];
	[bflag:$0x3] =	sbarrier.arrive $0xFFFF;
	s2 =	simm.s32 @!p0 $0x1C02  }
0x73: {  	[timem:s3], [sflag:s2] =	dma.local @!p0 [hbm:s0], s1  }
0x74: {  	s0 =	simm.s32 @!p0 $0x2  }
0x75: {  	_ =	swait.ge @!p0 [sflag:s0], s1  }
0x76: {  	s1 =	ssub.s32 @!p0 $0x0, s1;
	[sflag:s0] =	ssyncset.done @!p0 $0x0  }
0x77: {  	[sflag:s0] =	ssyncadd.s32 @!p0 s1  }
0x78: {  	[bflag:$0x3] =	sbarrier.arrive $0xFFFF  }
0x79: {  	_ =	shalt  }

</sc_bundles>
